<compile_context>
chip_gen: v7x
topology: tpu7x:2x2x1
jax: 0.10.2.dev20260603
libtpu: 0.0.44.dev20260713+nightly
codegen_flags: <defaults>
</compile_context>

<pallas_src>
import functools

import jax
import jax.numpy as jnp
from jax import lax
from jax.experimental import pallas as pl
from jax.experimental.pallas import tpu as pltpu
from jax.experimental.pallas import tpu_sc as plsc

_NC = 2
_NW = 32
_NIJ = 49
_B = 256

_mesh = plsc.VectorSubcoreMesh(core_axis_name="c", subcore_axis_name="s")


@functools.partial(
    pl.kernel,
    mesh=_mesh,
    compiler_params=pltpu.CompilerParams(needs_layout_passes=False),
    out_type=[
        jax.ShapeDtypeStruct((_NIJ * _B,), jnp.float32),
        jax.ShapeDtypeStruct((_NIJ * 8 * _B,), jnp.float32),
        jax.ShapeDtypeStruct((_NIJ * 20 * _B,), jnp.float32),
    ],
    scratch_types=[
        pltpu.VMEM((30 * _B,), jnp.float32),
        pltpu.VMEM((_B,), jnp.float32),
        pltpu.VMEM((8 * _B,), jnp.float32),
        pltpu.VMEM((20 * _B,), jnp.float32),
    ],
)
def _sc_head(x_hbm, fg_hbm, loc_hbm, cls_hbm, vin, vfg, vloc, vcls):
    wid = lax.axis_index("s") * _NC + lax.axis_index("c")

    def do_block(blk):
        pltpu.sync_copy(x_hbm.at[pl.ds(blk * (30 * _B), 30 * _B)], vin)

        def bchunk(bc, carry):
            base = bc * 16
            ch = [vin[pl.ds(c * _B + base, 16)] for c in range(30)]
            es = [jnp.exp(c) for c in ch[10:30]]
            s = es[0]
            for e in es[1:]:
                s = s + e
            r = 1.0 / s
            for c in range(20):
                vcls[pl.ds(c * _B + base, 16)] = es[c] * r
            vfg[pl.ds(base, 16)] = 1.0 / (1.0 + jnp.exp(ch[9] - ch[8]))
            for c in range(8):
                vloc[pl.ds(c * _B + base, 16)] = 1.0 / (1.0 + jnp.exp(-ch[c]))
            return carry

        lax.fori_loop(0, _B // 16, bchunk, 0)
        pltpu.sync_copy(vfg, fg_hbm.at[pl.ds(blk * _B, _B)])
        pltpu.sync_copy(vloc, loc_hbm.at[pl.ds(blk * (8 * _B), 8 * _B)])
        pltpu.sync_copy(vcls, cls_hbm.at[pl.ds(blk * (20 * _B), 20 * _B)])

    do_block(wid)
    extra = wid + _NW

    @pl.when(extra < _NIJ)
    def _():
        do_block(extra)


def kernel(x):
    xf = jnp.transpose(x, (1, 2, 3, 0)).reshape(_NIJ * 30 * _B)
    fgf, locf, clsf = _sc_head(xf)
    fg = jnp.transpose(fgf.reshape(7, 7, _B), (2, 0, 1))
    loc = jnp.transpose(locf.reshape(7, 7, 8, _B), (3, 0, 1, 2)).reshape(
        256, 7, 7, 2, 4)
    cls = jnp.transpose(clsf.reshape(7, 7, 20, _B), (3, 0, 1, 2))
    return (fg, loc, cls)

# --- scband reference (transcript-rebuilt; emitter-appended) ---
"""Pipeline reference for scband-yolo-11742440587908 (READ-ONLY COPY).

The authoritative reference and input builder live on the scoring server;
editing this copy changes nothing except your own understanding.
"""

import jax, jax.numpy as jnp
import numpy as np


def setup_inputs(seed: int = 0) -> dict:
    key = jax.random.key(seed)
    x = jax.random.normal(key, (256, 7, 7, 30), dtype=jnp.float32)
    return {"x": x}


def reference(x):
    # backbone is identity, so feature == x, shape [B, 7, 7, 30]
    feature = x
    cls_score = jax.nn.softmax(feature[:, :, :, 10:], axis=-1)
    fg_score = jax.nn.softmax(feature[:, :, :, 8:10], axis=-1)[:, :, :, 0]
    loc = jax.nn.sigmoid(feature[:, :, :, :8]).reshape(-1, 7, 7, 2, 4)
    return (fg_score, loc, cls_score)

if __name__ == "__main__":
    import jax
    _d = setup_inputs()
    print(jax.jit(kernel)(*tuple(_d.values())))

</pallas_src>

<mosaic_0001>
#map = affine_map<(d0, d1) -> (0)>
module attributes {stable_mosaic.version = 14 : i64} {
  func.func @_sc_head(%arg0: i32, %arg1: i32, %arg2: memref<376320xf32, #tpu.memory_space<hbm>>, %arg3: memref<12544xf32, #tpu.memory_space<hbm>>, %arg4: memref<100352xf32, #tpu.memory_space<hbm>>, %arg5: memref<250880xf32, #tpu.memory_space<hbm>>, %arg6: memref<7680xf32, #tpu.memory_space<vmem>>, %arg7: memref<256xf32, #tpu.memory_space<vmem>>, %arg8: memref<2048xf32, #tpu.memory_space<vmem>>, %arg9: memref<5120xf32, #tpu.memory_space<vmem>>) attributes {dimension_semantics = [#tpu.dimension_semantics<core_parallel>, #tpu.dimension_semantics<subcore_parallel>], iteration_bounds = array<i64: 2, 16>, scalar_prefetch = 0 : i64, scratch_operands = 4 : i64, tpu.core_type = #tpu.core_type<sc_vector_subcore>, window_params = [{transform_indices = #map}, {transform_indices = #map}, {transform_indices = #map}, {transform_indices = #map}]} {
    %mul3A = arith.constant 2 : i32
    %mul3A_0 = arith.muli %arg1, %mul3A : i32
    %add3A = arith.addi %mul3A_0, %arg0 : i32
    %mul3A_1 = arith.constant 7680 : i32
    %mul3A_2 = arith.muli %add3A, %mul3A_1 : i32
    "tpu.region"() ({
      %run_scoped3A = tpu.sem_alloc : memref<!tpu.dma_semaphore, #tpu.memory_space<semaphore_mem>>
      %dma_start3A = tpu.memref_slice %arg2[%mul3A_2] : memref<376320xf32, #tpu.memory_space<hbm>> -> memref<7680xf32, #tpu.memory_space<hbm>>
      %dma_start3A_18 = tpu.memref_slice %arg2[%mul3A_2] : memref<376320xf32, #tpu.memory_space<hbm>> -> memref<7680xf32, #tpu.memory_space<hbm>>
      tpu.enqueue_dma source(%dma_start3A_18 : memref<7680xf32, #tpu.memory_space<hbm>>) target(%arg6 : memref<7680xf32, #tpu.memory_space<vmem>>) target_semaphore(%run_scoped3A : memref<!tpu.dma_semaphore, #tpu.memory_space<semaphore_mem>>)
      %dma_wait3A = tpu.memref_slice %arg2[%mul3A_2] : memref<376320xf32, #tpu.memory_space<hbm>> -> memref<7680xf32, #tpu.memory_space<hbm>>
      %dma_wait3A_19 = tpu.memref_slice %arg2[%mul3A_2] : memref<376320xf32, #tpu.memory_space<hbm>> -> memref<7680xf32, #tpu.memory_space<hbm>>
      tpu.wait_dma2 semaphore(%run_scoped3A : memref<!tpu.dma_semaphore, #tpu.memory_space<semaphore_mem>>) src(%dma_wait3A_19 : memref<7680xf32, #tpu.memory_space<hbm>>) dst(%arg6 : memref<7680xf32, #tpu.memory_space<vmem>>)
      tpu.yield
    }) : () -> ()
    %scan3A = arith.constant 0 : i32
    %scan3A_3 = arith.constant 0 : i32
    %scan3A_4 = arith.constant 16 : i32
    %scan3A_5 = arith.addi %scan3A_3, %scan3A_4 : i32
    %scan3A_6 = arith.constant 1 : i32
    scf.for %scan3A_18 = %scan3A_3 to %scan3A_5 step %scan3A_6  : i32 {
      %mul3A_19 = arith.constant 16 : i32
      %mul3A_20 = arith.muli %scan3A_18, %mul3A_19 : i32
      %add3A_21 = arith.constant 0 : i32
      %add3A_22 = arith.addi %add3A_21, %mul3A_20 : i32
      %get3A = arith.index_cast %add3A_22 : i32 to index
      %get3A_23 = tpu.vector_load %arg6[%get3A] {strides = array<i32>} : memref<7680xf32, #tpu.memory_space<vmem>>, vector<16xf32>,
      %add3A_24 = arith.constant 256 : i32
      %add3A_25 = arith.addi %add3A_24, %mul3A_20 : i32
      %get3A_26 = arith.index_cast %add3A_25 : i32 to index
      %get3A_27 = tpu.vector_load %arg6[%get3A_26] {strides = array<i32>} : memref<7680xf32, #tpu.memory_space<vmem>>, vector<16xf32>,
      %add3A_28 = arith.constant 512 : i32
      %add3A_29 = arith.addi %add3A_28, %mul3A_20 : i32
      %get3A_30 = arith.index_cast %add3A_29 : i32 to index
      %get3A_31 = tpu.vector_load %arg6[%get3A_30] {strides = array<i32>} : memref<7680xf32, #tpu.memory_space<vmem>>, vector<16xf32>,
      %add3A_32 = arith.constant 768 : i32
      %add3A_33 = arith.addi %add3A_32, %mul3A_20 : i32
      %get3A_34 = arith.index_cast %add3A_33 : i32 to index
      %get3A_35 = tpu.vector_load %arg6[%get3A_34] {strides = array<i32>} : memref<7680xf32, #tpu.memory_space<vmem>>, vector<16xf32>,
      %add3A_36 = arith.constant 1024 : i32
      %add3A_37 = arith.addi %add3A_36, %mul3A_20 : i32
      %get3A_38 = arith.index_cast %add3A_37 : i32 to index
      %get3A_39 = tpu.vector_load %arg6[%get3A_38] {strides = array<i32>} : memref<7680xf32, #tpu.memory_space<vmem>>, vector<16xf32>,
      %add3A_40 = arith.constant 1280 : i32
      %add3A_41 = arith.addi %add3A_40, %mul3A_20 : i32
      %get3A_42 = arith.index_cast %add3A_41 : i32 to index
      %get3A_43 = tpu.vector_load %arg6[%get3A_42] {strides = array<i32>} : memref<7680xf32, #tpu.memory_space<vmem>>, vector<16xf32>,
      %add3A_44 = arith.constant 1536 : i32
      %add3A_45 = arith.addi %add3A_44, %mul3A_20 : i32
      %get3A_46 = arith.index_cast %add3A_45 : i32 to index
      %get3A_47 = tpu.vector_load %arg6[%get3A_46] {strides = array<i32>} : memref<7680xf32, #tpu.memory_space<vmem>>, vector<16xf32>,
      %add3A_48 = arith.constant 1792 : i32
      %add3A_49 = arith.addi %add3A_48, %mul3A_20 : i32
      %get3A_50 = arith.index_cast %add3A_49 : i32 to index
      %get3A_51 = tpu.vector_load %arg6[%get3A_50] {strides = array<i32>} : memref<7680xf32, #tpu.memory_space<vmem>>, vector<16xf32>,
      %add3A_52 = arith.constant 2048 : i32
      %add3A_53 = arith.addi %add3A_52, %mul3A_20 : i32
      %get3A_54 = arith.index_cast %add3A_53 : i32 to index
      %get3A_55 = tpu.vector_load %arg6[%get3A_54] {strides = array<i32>} : memref<7680xf32, #tpu.memory_space<vmem>>, vector<16xf32>,
      %add3A_56 = arith.constant 2304 : i32
      %add3A_57 = arith.addi %add3A_56, %mul3A_20 : i32
      %get3A_58 = arith.index_cast %add3A_57 : i32 to index
      %get3A_59 = tpu.vector_load %arg6[%get3A_58] {strides = array<i32>} : memref<7680xf32, #tpu.memory_space<vmem>>, vector<16xf32>,
      %add3A_60 = arith.constant 2560 : i32
      %add3A_61 = arith.addi %add3A_60, %mul3A_20 : i32
      %get3A_62 = arith.index_cast %add3A_61 : i32 to index
      %get3A_63 = tpu.vector_load %arg6[%get3A_62] {strides = array<i32>} : memref<7680xf32, #tpu.memory_space<vmem>>, vector<16xf32>,
      %add3A_64 = arith.constant 2816 : i32
      %add3A_65 = arith.addi %add3A_64, %mul3A_20 : i32
      %get3A_66 = arith.index_cast %add3A_65 : i32 to index
      %get3A_67 = tpu.vector_load %arg6[%get3A_66] {strides = array<i32>} : memref<7680xf32, #tpu.memory_space<vmem>>, vector<16xf32>,
      %add3A_68 = arith.constant 3072 : i32
      %add3A_69 = arith.addi %add3A_68, %mul3A_20 : i32
      %get3A_70 = arith.index_cast %add3A_69 : i32 to index
      %get3A_71 = tpu.vector_load %arg6[%get3A_70] {strides = array<i32>} : memref<7680xf32, #tpu.memory_space<vmem>>, vector<16xf32>,
      %add3A_72 = arith.constant 3328 : i32
      %add3A_73 = arith.addi %add3A_72, %mul3A_20 : i32
      %get3A_74 = arith.index_cast %add3A_73 : i32 to index
      %get3A_75 = tpu.vector_load %arg6[%get3A_74] {strides = array<i32>} : memref<7680xf32, #tpu.memory_space<vmem>>, vector<16xf32>,
      %add3A_76 = arith.constant 3584 : i32
      %add3A_77 = arith.addi %add3A_76, %mul3A_20 : i32
      %get3A_78 = arith.index_cast %add3A_77 : i32 to index
      %get3A_79 = tpu.vector_load %arg6[%get3A_78] {strides = array<i32>} : memref<7680xf32, #tpu.memory_space<vmem>>, vector<16xf32>,
      %add3A_80 = arith.constant 3840 : i32
      %add3A_81 = arith.addi %add3A_80, %mul3A_20 : i32
      %get3A_82 = arith.index_cast %add3A_81 : i32 to index
      %get3A_83 = tpu.vector_load %arg6[%get3A_82] {strides = array<i32>} : memref<7680xf32, #tpu.memory_space<vmem>>, vector<16xf32>,
      %add3A_84 = arith.constant 4096 : i32
      %add3A_85 = arith.addi %add3A_84, %mul3A_20 : i32
      %get3A_86 = arith.index_cast %add3A_85 : i32 to index
      %get3A_87 = tpu.vector_load %arg6[%get3A_86] {strides = array<i32>} : memref<7680xf32, #tpu.memory_space<vmem>>, vector<16xf32>,
      %add3A_88 = arith.constant 4352 : i32
      %add3A_89 = arith.addi %add3A_88, %mul3A_20 : i32
      %get3A_90 = arith.index_cast %add3A_89 : i32 to index
      %get3A_91 = tpu.vector_load %arg6[%get3A_90] {strides = array<i32>} : memref<7680xf32, #tpu.memory_space<vmem>>, vector<16xf32>,
      %add3A_92 = arith.constant 4608 : i32
      %add3A_93 = arith.addi %add3A_92, %mul3A_20 : i32
      %get3A_94 = arith.index_cast %add3A_93 : i32 to index
      %get3A_95 = tpu.vector_load %arg6[%get3A_94] {strides = array<i32>} : memref<7680xf32, #tpu.memory_space<vmem>>, vector<16xf32>,
      %add3A_96 = arith.constant 4864 : i32
      %add3A_97 = arith.addi %add3A_96, %mul3A_20 : i32
      %get3A_98 = arith.index_cast %add3A_97 : i32 to index
      %get3A_99 = tpu.vector_load %arg6[%get3A_98] {strides = array<i32>} : memref<7680xf32, #tpu.memory_space<vmem>>, vector<16xf32>,
      %add3A_100 = arith.constant 5120 : i32
      %add3A_101 = arith.addi %add3A_100, %mul3A_20 : i32
      %get3A_102 = arith.index_cast %add3A_101 : i32 to index
      %get3A_103 = tpu.vector_load %arg6[%get3A_102] {strides = array<i32>} : memref<7680xf32, #tpu.memory_space<vmem>>, vector<16xf32>,
      %add3A_104 = arith.constant 5376 : i32
      %add3A_105 = arith.addi %add3A_104, %mul3A_20 : i32
      %get3A_106 = arith.index_cast %add3A_105 : i32 to index
      %get3A_107 = tpu.vector_load %arg6[%get3A_106] {strides = array<i32>} : memref<7680xf32, #tpu.memory_space<vmem>>, vector<16xf32>,
      %add3A_108 = arith.constant 5632 : i32
      %add3A_109 = arith.addi %add3A_108, %mul3A_20 : i32
      %get3A_110 = arith.index_cast %add3A_109 : i32 to index
      %get3A_111 = tpu.vector_load %arg6[%get3A_110] {strides = array<i32>} : memref<7680xf32, #tpu.memory_space<vmem>>, vector<16xf32>,
      %add3A_112 = arith.constant 5888 : i32
      %add3A_113 = arith.addi %add3A_112, %mul3A_20 : i32
      %get3A_114 = arith.index_cast %add3A_113 : i32 to index
      %get3A_115 = tpu.vector_load %arg6[%get3A_114] {strides = array<i32>} : memref<7680xf32, #tpu.memory_space<vmem>>, vector<16xf32>,
      %add3A_116 = arith.constant 6144 : i32
      %add3A_117 = arith.addi %add3A_116, %mul3A_20 : i32
      %get3A_118 = arith.index_cast %add3A_117 : i32 to index
      %get3A_119 = tpu.vector_load %arg6[%get3A_118] {strides = array<i32>} : memref<7680xf32, #tpu.memory_space<vmem>>, vector<16xf32>,
      %add3A_120 = arith.constant 6400 : i32
      %add3A_121 = arith.addi %add3A_120, %mul3A_20 : i32
      %get3A_122 = arith.index_cast %add3A_121 : i32 to index
      %get3A_123 = tpu.vector_load %arg6[%get3A_122] {strides = array<i32>} : memref<7680xf32, #tpu.memory_space<vmem>>, vector<16xf32>,
      %add3A_124 = arith.constant 6656 : i32
      %add3A_125 = arith.addi %add3A_124, %mul3A_20 : i32
      %get3A_126 = arith.index_cast %add3A_125 : i32 to index
      %get3A_127 = tpu.vector_load %arg6[%get3A_126] {strides = array<i32>} : memref<7680xf32, #tpu.memory_space<vmem>>, vector<16xf32>,
      %add3A_128 = arith.constant 6912 : i32
      %add3A_129 = arith.addi %add3A_128, %mul3A_20 : i32
      %get3A_130 = arith.index_cast %add3A_129 : i32 to index
      %get3A_131 = tpu.vector_load %arg6[%get3A_130] {strides = array<i32>} : memref<7680xf32, #tpu.memory_space<vmem>>, vector<16xf32>,
      %add3A_132 = arith.constant 7168 : i32
      %add3A_133 = arith.addi %add3A_132, %mul3A_20 : i32
      %get3A_134 = arith.index_cast %add3A_133 : i32 to index
      %get3A_135 = tpu.vector_load %arg6[%get3A_134] {strides = array<i32>} : memref<7680xf32, #tpu.memory_space<vmem>>, vector<16xf32>,
      %add3A_136 = arith.constant 7424 : i32
      %add3A_137 = arith.addi %add3A_136, %mul3A_20 : i32
      %get3A_138 = arith.index_cast %add3A_137 : i32 to index
      %get3A_139 = tpu.vector_load %arg6[%get3A_138] {strides = array<i32>} : memref<7680xf32, #tpu.memory_space<vmem>>, vector<16xf32>,
      %exp3A = math.exp %get3A_63 : vector<16xf32>
      %exp3A_140 = math.exp %get3A_67 : vector<16xf32>
      %exp3A_141 = math.exp %get3A_71 : vector<16xf32>
      %exp3A_142 = math.exp %get3A_75 : vector<16xf32>
      %exp3A_143 = math.exp %get3A_79 : vector<16xf32>
      %exp3A_144 = math.exp %get3A_83 : vector<16xf32>
      %exp3A_145 = math.exp %get3A_87 : vector<16xf32>
      %exp3A_146 = math.exp %get3A_91 : vector<16xf32>
      %exp3A_147 = math.exp %get3A_95 : vector<16xf32>
      %exp3A_148 = math.exp %get3A_99 : vector<16xf32>
      %exp3A_149 = math.exp %get3A_103 : vector<16xf32>
      %exp3A_150 = math.exp %get3A_107 : vector<16xf32>
      %exp3A_151 = math.exp %get3A_111 : vector<16xf32>
      %exp3A_152 = math.exp %get3A_115 : vector<16xf32>
      %exp3A_153 = math.exp %get3A_119 : vector<16xf32>
      %exp3A_154 = math.exp %get3A_123 : vector<16xf32>
      %exp3A_155 = math.exp %get3A_127 : vector<16xf32>
      %exp3A_156 = math.exp %get3A_131 : vector<16xf32>
      %exp3A_157 = math.exp %get3A_135 : vector<16xf32>
      %exp3A_158 = math.exp %get3A_139 : vector<16xf32>
      %add3A_159 = arith.addf %exp3A, %exp3A_140 : vector<16xf32>
      %add3A_160 = arith.addf %add3A_159, %exp3A_141 : vector<16xf32>
      %add3A_161 = arith.addf %add3A_160, %exp3A_142 : vector<16xf32>
      %add3A_162 = arith.addf %add3A_161, %exp3A_143 : vector<16xf32>
      %add3A_163 = arith.addf %add3A_162, %exp3A_144 : vector<16xf32>
      %add3A_164 = arith.addf %add3A_163, %exp3A_145 : vector<16xf32>
      %add3A_165 = arith.addf %add3A_164, %exp3A_146 : vector<16xf32>
      %add3A_166 = arith.addf %add3A_165, %exp3A_147 : vector<16xf32>
      %add3A_167 = arith.addf %add3A_166, %exp3A_148 : vector<16xf32>
      %add3A_168 = arith.addf %add3A_167, %exp3A_149 : vector<16xf32>
      %add3A_169 = arith.addf %add3A_168, %exp3A_150 : vector<16xf32>
      %add3A_170 = arith.addf %add3A_169, %exp3A_151 : vector<16xf32>
      %add3A_171 = arith.addf %add3A_170, %exp3A_152 : vector<16xf32>
      %add3A_172 = arith.addf %add3A_171, %exp3A_153 : vector<16xf32>
      %add3A_173 = arith.addf %add3A_172, %exp3A_154 : vector<16xf32>
      %add3A_174 = arith.addf %add3A_173, %exp3A_155 : vector<16xf32>
      %add3A_175 = arith.addf %add3A_174, %exp3A_156 : vector<16xf32>
      %add3A_176 = arith.addf %add3A_175, %exp3A_157 : vector<16xf32>
      %add3A_177 = arith.addf %add3A_176, %exp3A_158 : vector<16xf32>
      %div3A = arith.constant 1.000000e+00 : f32
      %div3A_178 = vector.broadcast %div3A : f32 to vector<16xf32>
      %div3A_179 = arith.divf %div3A_178, %add3A_177 : vector<16xf32>
      %mul3A_180 = arith.mulf %exp3A, %div3A_179 : vector<16xf32>
      %add3A_181 = arith.constant 0 : i32
      %add3A_182 = arith.addi %add3A_181, %mul3A_20 : i32
      %swap3A = arith.index_cast %add3A_182 : i32 to index
      %swap3A_183 = tpu.vector_load %arg9[%swap3A] {strides = array<i32>} : memref<5120xf32, #tpu.memory_space<vmem>>, vector<16xf32>,
      tpu.vector_store %arg9[%swap3A], %mul3A_180 {strides = array<i32>} : memref<5120xf32, #tpu.memory_space<vmem>>, vector<16xf32>,
      %mul3A_184 = arith.mulf %exp3A_140, %div3A_179 : vector<16xf32>
      %add3A_185 = arith.constant 256 : i32
      %add3A_186 = arith.addi %add3A_185, %mul3A_20 : i32
      %swap3A_187 = arith.index_cast %add3A_186 : i32 to index
      %swap3A_188 = tpu.vector_load %arg9[%swap3A_187] {strides = array<i32>} : memref<5120xf32, #tpu.memory_space<vmem>>, vector<16xf32>,
      tpu.vector_store %arg9[%swap3A_187], %mul3A_184 {strides = array<i32>} : memref<5120xf32, #tpu.memory_space<vmem>>, vector<16xf32>,
      %mul3A_189 = arith.mulf %exp3A_141, %div3A_179 : vector<16xf32>
      %add3A_190 = arith.constant 512 : i32
      %add3A_191 = arith.addi %add3A_190, %mul3A_20 : i32
      %swap3A_192 = arith.index_cast %add3A_191 : i32 to index
      %swap3A_193 = tpu.vector_load %arg9[%swap3A_192] {strides = array<i32>} : memref<5120xf32, #tpu.memory_space<vmem>>, vector<16xf32>,
      tpu.vector_store %arg9[%swap3A_192], %mul3A_189 {strides = array<i32>} : memref<5120xf32, #tpu.memory_space<vmem>>, vector<16xf32>,
      %mul3A_194 = arith.mulf %exp3A_142, %div3A_179 : vector<16xf32>
      %add3A_195 = arith.constant 768 : i32
      %add3A_196 = arith.addi %add3A_195, %mul3A_20 : i32
      %swap3A_197 = arith.index_cast %add3A_196 : i32 to index
      %swap3A_198 = tpu.vector_load %arg9[%swap3A_197] {strides = array<i32>} : memref<5120xf32, #tpu.memory_space<vmem>>, vector<16xf32>,
      tpu.vector_store %arg9[%swap3A_197], %mul3A_194 {strides = array<i32>} : memref<5120xf32, #tpu.memory_space<vmem>>, vector<16xf32>,
      %mul3A_199 = arith.mulf %exp3A_143, %div3A_179 : vector<16xf32>
      %add3A_200 = arith.constant 1024 : i32
      %add3A_201 = arith.addi %add3A_200, %mul3A_20 : i32
      %swap3A_202 = arith.index_cast %add3A_201 : i32 to index
      %swap3A_203 = tpu.vector_load %arg9[%swap3A_202] {strides = array<i32>} : memref<5120xf32, #tpu.memory_space<vmem>>, vector<16xf32>,
      tpu.vector_store %arg9[%swap3A_202], %mul3A_199 {strides = array<i32>} : memref<5120xf32, #tpu.memory_space<vmem>>, vector<16xf32>,
      %mul3A_204 = arith.mulf %exp3A_144, %div3A_179 : vector<16xf32>
      %add3A_205 = arith.constant 1280 : i32
      %add3A_206 = arith.addi %add3A_205, %mul3A_20 : i32
      %swap3A_207 = arith.index_cast %add3A_206 : i32 to index
      %swap3A_208 = tpu.vector_load %arg9[%swap3A_207] {strides = array<i32>} : memref<5120xf32, #tpu.memory_space<vmem>>, vector<16xf32>,
      tpu.vector_store %arg9[%swap3A_207], %mul3A_204 {strides = array<i32>} : memref<5120xf32, #tpu.memory_space<vmem>>, vector<16xf32>,
      %mul3A_209 = arith.mulf %exp3A_145, %div3A_179 : vector<16xf32>
      %add3A_210 = arith.constant 1536 : i32
      %add3A_211 = arith.addi %add3A_210, %mul3A_20 : i32
      %swap3A_212 = arith.index_cast %add3A_211 : i32 to index
      %swap3A_213 = tpu.vector_load %arg9[%swap3A_212] {strides = array<i32>} : memref<5120xf32, #tpu.memory_space<vmem>>, vector<16xf32>,
      tpu.vector_store %arg9[%swap3A_212], %mul3A_209 {strides = array<i32>} : memref<5120xf32, #tpu.memory_space<vmem>>, vector<16xf32>,
      %mul3A_214 = arith.mulf %exp3A_146, %div3A_179 : vector<16xf32>
      %add3A_215 = arith.constant 1792 : i32
      %add3A_216 = arith.addi %add3A_215, %mul3A_20 : i32
      %swap3A_217 = arith.index_cast %add3A_216 : i32 to index
      %swap3A_218 = tpu.vector_load %arg9[%swap3A_217] {strides = array<i32>} : memref<5120xf32, #tpu.memory_space<vmem>>, vector<16xf32>,
      tpu.vector_store %arg9[%swap3A_217], %mul3A_214 {strides = array<i32>} : memref<5120xf32, #tpu.memory_space<vmem>>, vector<16xf32>,
      %mul3A_219 = arith.mulf %exp3A_147, %div3A_179 : vector<16xf32>
      %add3A_220 = arith.constant 2048 : i32
      %add3A_221 = arith.addi %add3A_220, %mul3A_20 : i32
      %swap3A_222 = arith.index_cast %add3A_221 : i32 to index
      %swap3A_223 = tpu.vector_load %arg9[%swap3A_222] {strides = array<i32>} : memref<5120xf32, #tpu.memory_space<vmem>>, vector<16xf32>,
      tpu.vector_store %arg9[%swap3A_222], %mul3A_219 {strides = array<i32>} : memref<5120xf32, #tpu.memory_space<vmem>>, vector<16xf32>,
      %mul3A_224 = arith.mulf %exp3A_148, %div3A_179 : vector<16xf32>
      %add3A_225 = arith.constant 2304 : i32
      %add3A_226 = arith.addi %add3A_225, %mul3A_20 : i32
      %swap3A_227 = arith.index_cast %add3A_226 : i32 to index
      %swap3A_228 = tpu.vector_load %arg9[%swap3A_227] {strides = array<i32>} : memref<5120xf32, #tpu.memory_space<vmem>>, vector<16xf32>,
      tpu.vector_store %arg9[%swap3A_227], %mul3A_224 {strides = array<i32>} : memref<5120xf32, #tpu.memory_space<vmem>>, vector<16xf32>,
      %mul3A_229 = arith.mulf %exp3A_149, %div3A_179 : vector<16xf32>
      %add3A_230 = arith.constant 2560 : i32
      %add3A_231 = arith.addi %add3A_230, %mul3A_20 : i32
      %swap3A_232 = arith.index_cast %add3A_231 : i32 to index
      %swap3A_233 = tpu.vector_load %arg9[%swap3A_232] {strides = array<i32>} : memref<5120xf32, #tpu.memory_space<vmem>>, vector<16xf32>,
      tpu.vector_store %arg9[%swap3A_232], %mul3A_229 {strides = array<i32>} : memref<5120xf32, #tpu.memory_space<vmem>>, vector<16xf32>,
      %mul3A_234 = arith.mulf %exp3A_150, %div3A_179 : vector<16xf32>
      %add3A_235 = arith.constant 2816 : i32
      %add3A_236 = arith.addi %add3A_235, %mul3A_20 : i32
      %swap3A_237 = arith.index_cast %add3A_236 : i32 to index
      %swap3A_238 = tpu.vector_load %arg9[%swap3A_237] {strides = array<i32>} : memref<5120xf32, #tpu.memory_space<vmem>>, vector<16xf32>,
      tpu.vector_store %arg9[%swap3A_237], %mul3A_234 {strides = array<i32>} : memref<5120xf32, #tpu.memory_space<vmem>>, vector<16xf32>,
      %mul3A_239 = arith.mulf %exp3A_151, %div3A_179 : vector<16xf32>
      %add3A_240 = arith.constant 3072 : i32
      %add3A_241 = arith.addi %add3A_240, %mul3A_20 : i32
      %swap3A_242 = arith.index_cast %add3A_241 : i32 to index
      %swap3A_243 = tpu.vector_load %arg9[%swap3A_242] {strides = array<i32>} : memref<5120xf32, #tpu.memory_space<vmem>>, vector<16xf32>,
      tpu.vector_store %arg9[%swap3A_242], %mul3A_239 {strides = array<i32>} : memref<5120xf32, #tpu.memory_space<vmem>>, vector<16xf32>,
      %mul3A_244 = arith.mulf %exp3A_152, %div3A_179 : vector<16xf32>
      %add3A_245 = arith.constant 3328 : i32
      %add3A_246 = arith.addi %add3A_245, %mul3A_20 : i32
      %swap3A_247 = arith.index_cast %add3A_246 : i32 to index
      %swap3A_248 = tpu.vector_load %arg9[%swap3A_247] {strides = array<i32>} : memref<5120xf32, #tpu.memory_space<vmem>>, vector<16xf32>,
      tpu.vector_store %arg9[%swap3A_247], %mul3A_244 {strides = array<i32>} : memref<5120xf32, #tpu.memory_space<vmem>>, vector<16xf32>,
      %mul3A_249 = arith.mulf %exp3A_153, %div3A_179 : vector<16xf32>
      %add3A_250 = arith.constant 3584 : i32
      %add3A_251 = arith.addi %add3A_250, %mul3A_20 : i32
      %swap3A_252 = arith.index_cast %add3A_251 : i32 to index
      %swap3A_253 = tpu.vector_load %arg9[%swap3A_252] {strides = array<i32>} : memref<5120xf32, #tpu.memory_space<vmem>>, vector<16xf32>,
      tpu.vector_store %arg9[%swap3A_252], %mul3A_249 {strides = array<i32>} : memref<5120xf32, #tpu.memory_space<vmem>>, vector<16xf32>,
      %mul3A_254 = arith.mulf %exp3A_154, %div3A_179 : vector<16xf32>
      %add3A_255 = arith.constant 3840 : i32
      %add3A_256 = arith.addi %add3A_255, %mul3A_20 : i32
      %swap3A_257 = arith.index_cast %add3A_256 : i32 to index
      %swap3A_258 = tpu.vector_load %arg9[%swap3A_257] {strides = array<i32>} : memref<5120xf32, #tpu.memory_space<vmem>>, vector<16xf32>,
      tpu.vector_store %arg9[%swap3A_257], %mul3A_254 {strides = array<i32>} : memref<5120xf32, #tpu.memory_space<vmem>>, vector<16xf32>,
      %mul3A_259 = arith.mulf %exp3A_155, %div3A_179 : vector<16xf32>
      %add3A_260 = arith.constant 4096 : i32
      %add3A_261 = arith.addi %add3A_260, %mul3A_20 : i32
      %swap3A_262 = arith.index_cast %add3A_261 : i32 to index
      %swap3A_263 = tpu.vector_load %arg9[%swap3A_262] {strides = array<i32>} : memref<5120xf32, #tpu.memory_space<vmem>>, vector<16xf32>,
      tpu.vector_store %arg9[%swap3A_262], %mul3A_259 {strides = array<i32>} : memref<5120xf32, #tpu.memory_space<vmem>>, vector<16xf32>,
      %mul3A_264 = arith.mulf %exp3A_156, %div3A_179 : vector<16xf32>
      %add3A_265 = arith.constant 4352 : i32
      %add3A_266 = arith.addi %add3A_265, %mul3A_20 : i32
      %swap3A_267 = arith.index_cast %add3A_266 : i32 to index
      %swap3A_268 = tpu.vector_load %arg9[%swap3A_267] {strides = array<i32>} : memref<5120xf32, #tpu.memory_space<vmem>>, vector<16xf32>,
      tpu.vector_store %arg9[%swap3A_267], %mul3A_264 {strides = array<i32>} : memref<5120xf32, #tpu.memory_space<vmem>>, vector<16xf32>,
      %mul3A_269 = arith.mulf %exp3A_157, %div3A_179 : vector<16xf32>
      %add3A_270 = arith.constant 4608 : i32
      %add3A_271 = arith.addi %add3A_270, %mul3A_20 : i32
      %swap3A_272 = arith.index_cast %add3A_271 : i32 to index
      %swap3A_273 = tpu.vector_load %arg9[%swap3A_272] {strides = array<i32>} : memref<5120xf32, #tpu.memory_space<vmem>>, vector<16xf32>,
      tpu.vector_store %arg9[%swap3A_272], %mul3A_269 {strides = array<i32>} : memref<5120xf32, #tpu.memory_space<vmem>>, vector<16xf32>,
      %mul3A_274 = arith.mulf %exp3A_158, %div3A_179 : vector<16xf32>
      %add3A_275 = arith.constant 4864 : i32
      %add3A_276 = arith.addi %add3A_275, %mul3A_20 : i32
      %swap3A_277 = arith.index_cast %add3A_276 : i32 to index
      %swap3A_278 = tpu.vector_load %arg9[%swap3A_277] {strides = array<i32>} : memref<5120xf32, #tpu.memory_space<vmem>>, vector<16xf32>,
      tpu.vector_store %arg9[%swap3A_277], %mul3A_274 {strides = array<i32>} : memref<5120xf32, #tpu.memory_space<vmem>>, vector<16xf32>,
      %sub3A = arith.subf %get3A_59, %get3A_55 : vector<16xf32>
      %exp3A_279 = math.exp %sub3A : vector<16xf32>
      %add3A_280 = arith.constant 1.000000e+00 : f32
      %add3A_281 = vector.broadcast %add3A_280 : f32 to vector<16xf32>
      %add3A_282 = arith.addf %add3A_281, %exp3A_279 : vector<16xf32>
      %div3A_283 = arith.constant 1.000000e+00 : f32
      %div3A_284 = vector.broadcast %div3A_283 : f32 to vector<16xf32>
      %div3A_285 = arith.divf %div3A_284, %add3A_282 : vector<16xf32>
      %swap3A_286 = arith.index_cast %mul3A_20 : i32 to index
      %swap3A_287 = tpu.vector_load %arg7[%swap3A_286] {strides = array<i32>} : memref<256xf32, #tpu.memory_space<vmem>>, vector<16xf32>,
      tpu.vector_store %arg7[%swap3A_286], %div3A_285 {strides = array<i32>} : memref<256xf32, #tpu.memory_space<vmem>>, vector<16xf32>,
      %neg3A = arith.constant 0.000000e+00 : f32
      %neg3A_288 = vector.broadcast %neg3A : f32 to vector<16xf32>
      %neg3A_289 = arith.subf %neg3A_288, %get3A_23 : vector<16xf32>
      %exp3A_290 = math.exp %neg3A_289 : vector<16xf32>
      %add3A_291 = arith.constant 1.000000e+00 : f32
      %add3A_292 = vector.broadcast %add3A_291 : f32 to vector<16xf32>
      %add3A_293 = arith.addf %add3A_292, %exp3A_290 : vector<16xf32>
      %div3A_294 = arith.constant 1.000000e+00 : f32
      %div3A_295 = vector.broadcast %div3A_294 : f32 to vector<16xf32>
      %div3A_296 = arith.divf %div3A_295, %add3A_293 : vector<16xf32>
      %add3A_297 = arith.constant 0 : i32
      %add3A_298 = arith.addi %add3A_297, %mul3A_20 : i32
      %swap3A_299 = arith.index_cast %add3A_298 : i32 to index
      %swap3A_300 = tpu.vector_load %arg8[%swap3A_299] {strides = array<i32>} : memref<2048xf32, #tpu.memory_space<vmem>>, vector<16xf32>,
      tpu.vector_store %arg8[%swap3A_299], %div3A_296 {strides = array<i32>} : memref<2048xf32, #tpu.memory_space<vmem>>, vector<16xf32>,
      %neg3A_301 = arith.constant 0.000000e+00 : f32
      %neg3A_302 = vector.broadcast %neg3A_301 : f32 to vector<16xf32>
      %neg3A_303 = arith.subf %neg3A_302, %get3A_27 : vector<16xf32>
      %exp3A_304 = math.exp %neg3A_303 : vector<16xf32>
      %add3A_305 = arith.constant 1.000000e+00 : f32
      %add3A_306 = vector.broadcast %add3A_305 : f32 to vector<16xf32>
      %add3A_307 = arith.addf %add3A_306, %exp3A_304 : vector<16xf32>
      %div3A_308 = arith.constant 1.000000e+00 : f32
      %div3A_309 = vector.broadcast %div3A_308 : f32 to vector<16xf32>
      %div3A_310 = arith.divf %div3A_309, %add3A_307 : vector<16xf32>
      %add3A_311 = arith.constant 256 : i32
      %add3A_312 = arith.addi %add3A_311, %mul3A_20 : i32
      %swap3A_313 = arith.index_cast %add3A_312 : i32 to index
      %swap3A_314 = tpu.vector_load %arg8[%swap3A_313] {strides = array<i32>} : memref<2048xf32, #tpu.memory_space<vmem>>, vector<16xf32>,
      tpu.vector_store %arg8[%swap3A_313], %div3A_310 {strides = array<i32>} : memref<2048xf32, #tpu.memory_space<vmem>>, vector<16xf32>,
      %neg3A_315 = arith.constant 0.000000e+00 : f32
      %neg3A_316 = vector.broadcast %neg3A_315 : f32 to vector<16xf32>
      %neg3A_317 = arith.subf %neg3A_316, %get3A_31 : vector<16xf32>
      %exp3A_318 = math.exp %neg3A_317 : vector<16xf32>
      %add3A_319 = arith.constant 1.000000e+00 : f32
      %add3A_320 = vector.broadcast %add3A_319 : f32 to vector<16xf32>
      %add3A_321 = arith.addf %add3A_320, %exp3A_318 : vector<16xf32>
      %div3A_322 = arith.constant 1.000000e+00 : f32
      %div3A_323 = vector.broadcast %div3A_322 : f32 to vector<16xf32>
      %div3A_324 = arith.divf %div3A_323, %add3A_321 : vector<16xf32>
      %add3A_325 = arith.constant 512 : i32
      %add3A_326 = arith.addi %add3A_325, %mul3A_20 : i32
      %swap3A_327 = arith.index_cast %add3A_326 : i32 to index
      %swap3A_328 = tpu.vector_load %arg8[%swap3A_327] {strides = array<i32>} : memref<2048xf32, #tpu.memory_space<vmem>>, vector<16xf32>,
      tpu.vector_store %arg8[%swap3A_327], %div3A_324 {strides = array<i32>} : memref<2048xf32, #tpu.memory_space<vmem>>, vector<16xf32>,
      %neg3A_329 = arith.constant 0.000000e+00 : f32
      %neg3A_330 = vector.broadcast %neg3A_329 : f32 to vector<16xf32>
      %neg3A_331 = arith.subf %neg3A_330, %get3A_35 : vector<16xf32>
      %exp3A_332 = math.exp %neg3A_331 : vector<16xf32>
      %add3A_333 = arith.constant 1.000000e+00 : f32
      %add3A_334 = vector.broadcast %add3A_333 : f32 to vector<16xf32>
      %add3A_335 = arith.addf %add3A_334, %exp3A_332 : vector<16xf32>
      %div3A_336 = arith.constant 1.000000e+00 : f32
      %div3A_337 = vector.broadcast %div3A_336 : f32 to vector<16xf32>
      %div3A_338 = arith.divf %div3A_337, %add3A_335 : vector<16xf32>
      %add3A_339 = arith.constant 768 : i32
      %add3A_340 = arith.addi %add3A_339, %mul3A_20 : i32
      %swap3A_341 = arith.index_cast %add3A_340 : i32 to index
      %swap3A_342 = tpu.vector_load %arg8[%swap3A_341] {strides = array<i32>} : memref<2048xf32, #tpu.memory_space<vmem>>, vector<16xf32>,
      tpu.vector_store %arg8[%swap3A_341], %div3A_338 {strides = array<i32>} : memref<2048xf32, #tpu.memory_space<vmem>>, vector<16xf32>,
      %neg3A_343 = arith.constant 0.000000e+00 : f32
      %neg3A_344 = vector.broadcast %neg3A_343 : f32 to vector<16xf32>
      %neg3A_345 = arith.subf %neg3A_344, %get3A_39 : vector<16xf32>
      %exp3A_346 = math.exp %neg3A_345 : vector<16xf32>
      %add3A_347 = arith.constant 1.000000e+00 : f32
      %add3A_348 = vector.broadcast %add3A_347 : f32 to vector<16xf32>
      %add3A_349 = arith.addf %add3A_348, %exp3A_346 : vector<16xf32>
      %div3A_350 = arith.constant 1.000000e+00 : f32
      %div3A_351 = vector.broadcast %div3A_350 : f32 to vector<16xf32>
      %div3A_352 = arith.divf %div3A_351, %add3A_349 : vector<16xf32>
      %add3A_353 = arith.constant 1024 : i32
      %add3A_354 = arith.addi %add3A_353, %mul3A_20 : i32
      %swap3A_355 = arith.index_cast %add3A_354 : i32 to index
      %swap3A_356 = tpu.vector_load %arg8[%swap3A_355] {strides = array<i32>} : memref<2048xf32, #tpu.memory_space<vmem>>, vector<16xf32>,
      tpu.vector_store %arg8[%swap3A_355], %div3A_352 {strides = array<i32>} : memref<2048xf32, #tpu.memory_space<vmem>>, vector<16xf32>,
      %neg3A_357 = arith.constant 0.000000e+00 : f32
      %neg3A_358 = vector.broadcast %neg3A_357 : f32 to vector<16xf32>
      %neg3A_359 = arith.subf %neg3A_358, %get3A_43 : vector<16xf32>
      %exp3A_360 = math.exp %neg3A_359 : vector<16xf32>
      %add3A_361 = arith.constant 1.000000e+00 : f32
      %add3A_362 = vector.broadcast %add3A_361 : f32 to vector<16xf32>
      %add3A_363 = arith.addf %add3A_362, %exp3A_360 : vector<16xf32>
      %div3A_364 = arith.constant 1.000000e+00 : f32
      %div3A_365 = vector.broadcast %div3A_364 : f32 to vector<16xf32>
      %div3A_366 = arith.divf %div3A_365, %add3A_363 : vector<16xf32>
      %add3A_367 = arith.constant 1280 : i32
      %add3A_368 = arith.addi %add3A_367, %mul3A_20 : i32
      %swap3A_369 = arith.index_cast %add3A_368 : i32 to index
      %swap3A_370 = tpu.vector_load %arg8[%swap3A_369] {strides = array<i32>} : memref<2048xf32, #tpu.memory_space<vmem>>, vector<16xf32>,
      tpu.vector_store %arg8[%swap3A_369], %div3A_366 {strides = array<i32>} : memref<2048xf32, #tpu.memory_space<vmem>>, vector<16xf32>,
      %neg3A_371 = arith.constant 0.000000e+00 : f32
      %neg3A_372 = vector.broadcast %neg3A_371 : f32 to vector<16xf32>
      %neg3A_373 = arith.subf %neg3A_372, %get3A_47 : vector<16xf32>
      %exp3A_374 = math.exp %neg3A_373 : vector<16xf32>
      %add3A_375 = arith.constant 1.000000e+00 : f32
      %add3A_376 = vector.broadcast %add3A_375 : f32 to vector<16xf32>
      %add3A_377 = arith.addf %add3A_376, %exp3A_374 : vector<16xf32>
      %div3A_378 = arith.constant 1.000000e+00 : f32
      %div3A_379 = vector.broadcast %div3A_378 : f32 to vector<16xf32>
      %div3A_380 = arith.divf %div3A_379, %add3A_377 : vector<16xf32>
      %add3A_381 = arith.constant 1536 : i32
      %add3A_382 = arith.addi %add3A_381, %mul3A_20 : i32
      %swap3A_383 = arith.index_cast %add3A_382 : i32 to index
      %swap3A_384 = tpu.vector_load %arg8[%swap3A_383] {strides = array<i32>} : memref<2048xf32, #tpu.memory_space<vmem>>, vector<16xf32>,
      tpu.vector_store %arg8[%swap3A_383], %div3A_380 {strides = array<i32>} : memref<2048xf32, #tpu.memory_space<vmem>>, vector<16xf32>,
      %neg3A_385 = arith.constant 0.000000e+00 : f32
      %neg3A_386 = vector.broadcast %neg3A_385 : f32 to vector<16xf32>
      %neg3A_387 = arith.subf %neg3A_386, %get3A_51 : vector<16xf32>
      %exp3A_388 = math.exp %neg3A_387 : vector<16xf32>
      %add3A_389 = arith.constant 1.000000e+00 : f32
      %add3A_390 = vector.broadcast %add3A_389 : f32 to vector<16xf32>
      %add3A_391 = arith.addf %add3A_390, %exp3A_388 : vector<16xf32>
      %div3A_392 = arith.constant 1.000000e+00 : f32
      %div3A_393 = vector.broadcast %div3A_392 : f32 to vector<16xf32>
      %div3A_394 = arith.divf %div3A_393, %add3A_391 : vector<16xf32>
      %add3A_395 = arith.constant 1792 : i32
      %add3A_396 = arith.addi %add3A_395, %mul3A_20 : i32
      %swap3A_397 = arith.index_cast %add3A_396 : i32 to index
      %swap3A_398 = tpu.vector_load %arg8[%swap3A_397] {strides = array<i32>} : memref<2048xf32, #tpu.memory_space<vmem>>, vector<16xf32>,
      tpu.vector_store %arg8[%swap3A_397], %div3A_394 {strides = array<i32>} : memref<2048xf32, #tpu.memory_space<vmem>>, vector<16xf32>,
    }
    %scan3A_7 = arith.constant 16 : i32
    %mul3A_8 = arith.constant 256 : i32
    %mul3A_9 = arith.muli %add3A, %mul3A_8 : i32
    "tpu.region"() ({
      %run_scoped3A = tpu.sem_alloc : memref<!tpu.dma_semaphore, #tpu.memory_space<semaphore_mem>>
      %dma_start3A = tpu.memref_slice %arg3[%mul3A_9] : memref<12544xf32, #tpu.memory_space<hbm>> -> memref<256xf32, #tpu.memory_space<hbm>>
      %dma_start3A_18 = tpu.memref_slice %arg3[%mul3A_9] : memref<12544xf32, #tpu.memory_space<hbm>> -> memref<256xf32, #tpu.memory_space<hbm>>
      tpu.enqueue_dma source(%arg7 : memref<256xf32, #tpu.memory_space<vmem>>) target(%dma_start3A_18 : memref<256xf32, #tpu.memory_space<hbm>>) target_semaphore(%run_scoped3A : memref<!tpu.dma_semaphore, #tpu.memory_space<semaphore_mem>>)
      %dma_wait3A = tpu.memref_slice %arg3[%mul3A_9] : memref<12544xf32, #tpu.memory_space<hbm>> -> memref<256xf32, #tpu.memory_space<hbm>>
      %dma_wait3A_19 = tpu.memref_slice %arg3[%mul3A_9] : memref<12544xf32, #tpu.memory_space<hbm>> -> memref<256xf32, #tpu.memory_space<hbm>>
      tpu.wait_dma2 semaphore(%run_scoped3A : memref<!tpu.dma_semaphore, #tpu.memory_space<semaphore_mem>>) src(%arg7 : memref<256xf32, #tpu.memory_space<vmem>>) dst(%dma_wait3A_19 : memref<256xf32, #tpu.memory_space<hbm>>)
      tpu.yield
    }) : () -> ()
    %mul3A_10 = arith.constant 2048 : i32
    %mul3A_11 = arith.muli %add3A, %mul3A_10 : i32
    "tpu.region"() ({
      %run_scoped3A = tpu.sem_alloc : memref<!tpu.dma_semaphore, #tpu.memory_space<semaphore_mem>>
      %dma_start3A = tpu.memref_slice %arg4[%mul3A_11] : memref<100352xf32, #tpu.memory_space<hbm>> -> memref<2048xf32, #tpu.memory_space<hbm>>
      %dma_start3A_18 = tpu.memref_slice %arg4[%mul3A_11] : memref<100352xf32, #tpu.memory_space<hbm>> -> memref<2048xf32, #tpu.memory_space<hbm>>
      tpu.enqueue_dma source(%arg8 : memref<2048xf32, #tpu.memory_space<vmem>>) target(%dma_start3A_18 : memref<2048xf32, #tpu.memory_space<hbm>>) target_semaphore(%run_scoped3A : memref<!tpu.dma_semaphore, #tpu.memory_space<semaphore_mem>>)
      %dma_wait3A = tpu.memref_slice %arg4[%mul3A_11] : memref<100352xf32, #tpu.memory_space<hbm>> -> memref<2048xf32, #tpu.memory_space<hbm>>
      %dma_wait3A_19 = tpu.memref_slice %arg4[%mul3A_11] : memref<100352xf32, #tpu.memory_space<hbm>> -> memref<2048xf32, #tpu.memory_space<hbm>>
      tpu.wait_dma2 semaphore(%run_scoped3A : memref<!tpu.dma_semaphore, #tpu.memory_space<semaphore_mem>>) src(%arg8 : memref<2048xf32, #tpu.memory_space<vmem>>) dst(%dma_wait3A_19 : memref<2048xf32, #tpu.memory_space<hbm>>)
      tpu.yield
    }) : () -> ()
    %mul3A_12 = arith.constant 5120 : i32
    %mul3A_13 = arith.muli %add3A, %mul3A_12 : i32
    "tpu.region"() ({
      %run_scoped3A = tpu.sem_alloc : memref<!tpu.dma_semaphore, #tpu.memory_space<semaphore_mem>>
      %dma_start3A = tpu.memref_slice %arg5[%mul3A_13] : memref<250880xf32, #tpu.memory_space<hbm>> -> memref<5120xf32, #tpu.memory_space<hbm>>
      %dma_start3A_18 = tpu.memref_slice %arg5[%mul3A_13] : memref<250880xf32, #tpu.memory_space<hbm>> -> memref<5120xf32, #tpu.memory_space<hbm>>
      tpu.enqueue_dma source(%arg9 : memref<5120xf32, #tpu.memory_space<vmem>>) target(%dma_start3A_18 : memref<5120xf32, #tpu.memory_space<hbm>>) target_semaphore(%run_scoped3A : memref<!tpu.dma_semaphore, #tpu.memory_space<semaphore_mem>>)
      %dma_wait3A = tpu.memref_slice %arg5[%mul3A_13] : memref<250880xf32, #tpu.memory_space<hbm>> -> memref<5120xf32, #tpu.memory_space<hbm>>
      %dma_wait3A_19 = tpu.memref_slice %arg5[%mul3A_13] : memref<250880xf32, #tpu.memory_space<hbm>> -> memref<5120xf32, #tpu.memory_space<hbm>>
      tpu.wait_dma2 semaphore(%run_scoped3A : memref<!tpu.dma_semaphore, #tpu.memory_space<semaphore_mem>>) src(%arg9 : memref<5120xf32, #tpu.memory_space<vmem>>) dst(%dma_wait3A_19 : memref<5120xf32, #tpu.memory_space<hbm>>)
      tpu.yield
    }) : () -> ()
    %add3A_14 = arith.constant 32 : i32
    %add3A_15 = arith.addi %add3A, %add3A_14 : i32
    %lt3A = arith.constant 49 : i32
    %lt3A_16 = arith.cmpi slt, %add3A_15, %lt3A : i32
    %convert_element_type3A = arith.extui %lt3A_16 : i1 to i32
    %cond3A = arith.constant 0 : i32
    %cond3A_17 = arith.cmpi ne, %convert_element_type3A, %cond3A : i32
    scf.if %cond3A_17 {
      %mul3A_18 = arith.constant 7680 : i32
      %mul3A_19 = arith.muli %add3A_15, %mul3A_18 : i32
      "tpu.region"() ({
        %run_scoped3A = tpu.sem_alloc : memref<!tpu.dma_semaphore, #tpu.memory_space<semaphore_mem>>
        %dma_start3A = tpu.memref_slice %arg2[%mul3A_19] : memref<376320xf32, #tpu.memory_space<hbm>> -> memref<7680xf32, #tpu.memory_space<hbm>>
        %dma_start3A_32 = tpu.memref_slice %arg2[%mul3A_19] : memref<376320xf32, #tpu.memory_space<hbm>> -> memref<7680xf32, #tpu.memory_space<hbm>>
        tpu.enqueue_dma source(%dma_start3A_32 : memref<7680xf32, #tpu.memory_space<hbm>>) target(%arg6 : memref<7680xf32, #tpu.memory_space<vmem>>) target_semaphore(%run_scoped3A : memref<!tpu.dma_semaphore, #tpu.memory_space<semaphore_mem>>)
        %dma_wait3A = tpu.memref_slice %arg2[%mul3A_19] : memref<376320xf32, #tpu.memory_space<hbm>> -> memref<7680xf32, #tpu.memory_space<hbm>>
        %dma_wait3A_33 = tpu.memref_slice %arg2[%mul3A_19] : memref<376320xf32, #tpu.memory_space<hbm>> -> memref<7680xf32, #tpu.memory_space<hbm>>
        tpu.wait_dma2 semaphore(%run_scoped3A : memref<!tpu.dma_semaphore, #tpu.memory_space<semaphore_mem>>) src(%dma_wait3A_33 : memref<7680xf32, #tpu.memory_space<hbm>>) dst(%arg6 : memref<7680xf32, #tpu.memory_space<vmem>>)
        tpu.yield
      }) : () -> ()
      %scan3A_20 = arith.constant 0 : i32
      %scan3A_21 = arith.constant 0 : i32
      %scan3A_22 = arith.constant 16 : i32
      %scan3A_23 = arith.addi %scan3A_21, %scan3A_22 : i32
      %scan3A_24 = arith.constant 1 : i32
      scf.for %scan3A_32 = %scan3A_21 to %scan3A_23 step %scan3A_24  : i32 {
        %mul3A_33 = arith.constant 16 : i32
        %mul3A_34 = arith.muli %scan3A_32, %mul3A_33 : i32
        %add3A_35 = arith.constant 0 : i32
        %add3A_36 = arith.addi %add3A_35, %mul3A_34 : i32
        %get3A = arith.index_cast %add3A_36 : i32 to index
        %get3A_37 = tpu.vector_load %arg6[%get3A] {strides = array<i32>} : memref<7680xf32, #tpu.memory_space<vmem>>, vector<16xf32>,
        %add3A_38 = arith.constant 256 : i32
        %add3A_39 = arith.addi %add3A_38, %mul3A_34 : i32
        %get3A_40 = arith.index_cast %add3A_39 : i32 to index
        %get3A_41 = tpu.vector_load %arg6[%get3A_40] {strides = array<i32>} : memref<7680xf32, #tpu.memory_space<vmem>>, vector<16xf32>,
        %add3A_42 = arith.constant 512 : i32
        %add3A_43 = arith.addi %add3A_42, %mul3A_34 : i32
        %get3A_44 = arith.index_cast %add3A_43 : i32 to index
        %get3A_45 = tpu.vector_load %arg6[%get3A_44] {strides = array<i32>} : memref<7680xf32, #tpu.memory_space<vmem>>, vector<16xf32>,
        %add3A_46 = arith.constant 768 : i32
        %add3A_47 = arith.addi %add3A_46, %mul3A_34 : i32
        %get3A_48 = arith.index_cast %add3A_47 : i32 to index
        %get3A_49 = tpu.vector_load %arg6[%get3A_48] {strides = array<i32>} : memref<7680xf32, #tpu.memory_space<vmem>>, vector<16xf32>,
        %add3A_50 = arith.constant 1024 : i32
        %add3A_51 = arith.addi %add3A_50, %mul3A_34 : i32
        %get3A_52 = arith.index_cast %add3A_51 : i32 to index
        %get3A_53 = tpu.vector_load %arg6[%get3A_52] {strides = array<i32>} : memref<7680xf32, #tpu.memory_space<vmem>>, vector<16xf32>,
        %add3A_54 = arith.constant 1280 : i32
        %add3A_55 = arith.addi %add3A_54, %mul3A_34 : i32
        %get3A_56 = arith.index_cast %add3A_55 : i32 to index
        %get3A_57 = tpu.vector_load %arg6[%get3A_56] {strides = array<i32>} : memref<7680xf32, #tpu.memory_space<vmem>>, vector<16xf32>,
        %add3A_58 = arith.constant 1536 : i32
        %add3A_59 = arith.addi %add3A_58, %mul3A_34 : i32
        %get3A_60 = arith.index_cast %add3A_59 : i32 to index
        %get3A_61 = tpu.vector_load %arg6[%get3A_60] {strides = array<i32>} : memref<7680xf32, #tpu.memory_space<vmem>>, vector<16xf32>,
        %add3A_62 = arith.constant 1792 : i32
        %add3A_63 = arith.addi %add3A_62, %mul3A_34 : i32
        %get3A_64 = arith.index_cast %add3A_63 : i32 to index
        %get3A_65 = tpu.vector_load %arg6[%get3A_64] {strides = array<i32>} : memref<7680xf32, #tpu.memory_space<vmem>>, vector<16xf32>,
        %add3A_66 = arith.constant 2048 : i32
        %add3A_67 = arith.addi %add3A_66, %mul3A_34 : i32
        %get3A_68 = arith.index_cast %add3A_67 : i32 to index
        %get3A_69 = tpu.vector_load %arg6[%get3A_68] {strides = array<i32>} : memref<7680xf32, #tpu.memory_space<vmem>>, vector<16xf32>,
        %add3A_70 = arith.constant 2304 : i32
        %add3A_71 = arith.addi %add3A_70, %mul3A_34 : i32
        %get3A_72 = arith.index_cast %add3A_71 : i32 to index
        %get3A_73 = tpu.vector_load %arg6[%get3A_72] {strides = array<i32>} : memref<7680xf32, #tpu.memory_space<vmem>>, vector<16xf32>,
        %add3A_74 = arith.constant 2560 : i32
        %add3A_75 = arith.addi %add3A_74, %mul3A_34 : i32
        %get3A_76 = arith.index_cast %add3A_75 : i32 to index
        %get3A_77 = tpu.vector_load %arg6[%get3A_76] {strides = array<i32>} : memref<7680xf32, #tpu.memory_space<vmem>>, vector<16xf32>,
        %add3A_78 = arith.constant 2816 : i32
        %add3A_79 = arith.addi %add3A_78, %mul3A_34 : i32
        %get3A_80 = arith.index_cast %add3A_79 : i32 to index
        %get3A_81 = tpu.vector_load %arg6[%get3A_80] {strides = array<i32>} : memref<7680xf32, #tpu.memory_space<vmem>>, vector<16xf32>,
        %add3A_82 = arith.constant 3072 : i32
        %add3A_83 = arith.addi %add3A_82, %mul3A_34 : i32
        %get3A_84 = arith.index_cast %add3A_83 : i32 to index
        %get3A_85 = tpu.vector_load %arg6[%get3A_84] {strides = array<i32>} : memref<7680xf32, #tpu.memory_space<vmem>>, vector<16xf32>,
        %add3A_86 = arith.constant 3328 : i32
        %add3A_87 = arith.addi %add3A_86, %mul3A_34 : i32
        %get3A_88 = arith.index_cast %add3A_87 : i32 to index
        %get3A_89 = tpu.vector_load %arg6[%get3A_88] {strides = array<i32>} : memref<7680xf32, #tpu.memory_space<vmem>>, vector<16xf32>,
        %add3A_90 = arith.constant 3584 : i32
        %add3A_91 = arith.addi %add3A_90, %mul3A_34 : i32
        %get3A_92 = arith.index_cast %add3A_91 : i32 to index
        %get3A_93 = tpu.vector_load %arg6[%get3A_92] {strides = array<i32>} : memref<7680xf32, #tpu.memory_space<vmem>>, vector<16xf32>,
        %add3A_94 = arith.constant 3840 : i32
        %add3A_95 = arith.addi %add3A_94, %mul3A_34 : i32
        %get3A_96 = arith.index_cast %add3A_95 : i32 to index
        %get3A_97 = tpu.vector_load %arg6[%get3A_96] {strides = array<i32>} : memref<7680xf32, #tpu.memory_space<vmem>>, vector<16xf32>,
        %add3A_98 = arith.constant 4096 : i32
        %add3A_99 = arith.addi %add3A_98, %mul3A_34 : i32
        %get3A_100 = arith.index_cast %add3A_99 : i32 to index
        %get3A_101 = tpu.vector_load %arg6[%get3A_100] {strides = array<i32>} : memref<7680xf32, #tpu.memory_space<vmem>>, vector<16xf32>,
        %add3A_102 = arith.constant 4352 : i32
        %add3A_103 = arith.addi %add3A_102, %mul3A_34 : i32
        %get3A_104 = arith.index_cast %add3A_103 : i32 to index
        %get3A_105 = tpu.vector_load %arg6[%get3A_104] {strides = array<i32>} : memref<7680xf32, #tpu.memory_space<vmem>>, vector<16xf32>,
        %add3A_106 = arith.constant 4608 : i32
        %add3A_107 = arith.addi %add3A_106, %mul3A_34 : i32
        %get3A_108 = arith.index_cast %add3A_107 : i32 to index
        %get3A_109 = tpu.vector_load %arg6[%get3A_108] {strides = array<i32>} : memref<7680xf32, #tpu.memory_space<vmem>>, vector<16xf32>,
        %add3A_110 = arith.constant 4864 : i32
        %add3A_111 = arith.addi %add3A_110, %mul3A_34 : i32
        %get3A_112 = arith.index_cast %add3A_111 : i32 to index
        %get3A_113 = tpu.vector_load %arg6[%get3A_112] {strides = array<i32>} : memref<7680xf32, #tpu.memory_space<vmem>>, vector<16xf32>,
        %add3A_114 = arith.constant 5120 : i32
        %add3A_115 = arith.addi %add3A_114, %mul3A_34 : i32
        %get3A_116 = arith.index_cast %add3A_115 : i32 to index
        %get3A_117 = tpu.vector_load %arg6[%get3A_116] {strides = array<i32>} : memref<7680xf32, #tpu.memory_space<vmem>>, vector<16xf32>,
        %add3A_118 = arith.constant 5376 : i32
        %add3A_119 = arith.addi %add3A_118, %mul3A_34 : i32
        %get3A_120 = arith.index_cast %add3A_119 : i32 to index
        %get3A_121 = tpu.vector_load %arg6[%get3A_120] {strides = array<i32>} : memref<7680xf32, #tpu.memory_space<vmem>>, vector<16xf32>,
        %add3A_122 = arith.constant 5632 : i32
        %add3A_123 = arith.addi %add3A_122, %mul3A_34 : i32
        %get3A_124 = arith.index_cast %add3A_123 : i32 to index
        %get3A_125 = tpu.vector_load %arg6[%get3A_124] {strides = array<i32>} : memref<7680xf32, #tpu.memory_space<vmem>>, vector<16xf32>,
        %add3A_126 = arith.constant 5888 : i32
        %add3A_127 = arith.addi %add3A_126, %mul3A_34 : i32
        %get3A_128 = arith.index_cast %add3A_127 : i32 to index
        %get3A_129 = tpu.vector_load %arg6[%get3A_128] {strides = array<i32>} : memref<7680xf32, #tpu.memory_space<vmem>>, vector<16xf32>,
        %add3A_130 = arith.constant 6144 : i32
        %add3A_131 = arith.addi %add3A_130, %mul3A_34 : i32
        %get3A_132 = arith.index_cast %add3A_131 : i32 to index
        %get3A_133 = tpu.vector_load %arg6[%get3A_132] {strides = array<i32>} : memref<7680xf32, #tpu.memory_space<vmem>>, vector<16xf32>,
        %add3A_134 = arith.constant 6400 : i32
        %add3A_135 = arith.addi %add3A_134, %mul3A_34 : i32
        %get3A_136 = arith.index_cast %add3A_135 : i32 to index
        %get3A_137 = tpu.vector_load %arg6[%get3A_136] {strides = array<i32>} : memref<7680xf32, #tpu.memory_space<vmem>>, vector<16xf32>,
        %add3A_138 = arith.constant 6656 : i32
        %add3A_139 = arith.addi %add3A_138, %mul3A_34 : i32
        %get3A_140 = arith.index_cast %add3A_139 : i32 to index
        %get3A_141 = tpu.vector_load %arg6[%get3A_140] {strides = array<i32>} : memref<7680xf32, #tpu.memory_space<vmem>>, vector<16xf32>,
        %add3A_142 = arith.constant 6912 : i32
        %add3A_143 = arith.addi %add3A_142, %mul3A_34 : i32
        %get3A_144 = arith.index_cast %add3A_143 : i32 to index
        %get3A_145 = tpu.vector_load %arg6[%get3A_144] {strides = array<i32>} : memref<7680xf32, #tpu.memory_space<vmem>>, vector<16xf32>,
        %add3A_146 = arith.constant 7168 : i32
        %add3A_147 = arith.addi %add3A_146, %mul3A_34 : i32
        %get3A_148 = arith.index_cast %add3A_147 : i32 to index
        %get3A_149 = tpu.vector_load %arg6[%get3A_148] {strides = array<i32>} : memref<7680xf32, #tpu.memory_space<vmem>>, vector<16xf32>,
        %add3A_150 = arith.constant 7424 : i32
        %add3A_151 = arith.addi %add3A_150, %mul3A_34 : i32
        %get3A_152 = arith.index_cast %add3A_151 : i32 to index
        %get3A_153 = tpu.vector_load %arg6[%get3A_152] {strides = array<i32>} : memref<7680xf32, #tpu.memory_space<vmem>>, vector<16xf32>,
        %exp3A = math.exp %get3A_77 : vector<16xf32>
        %exp3A_154 = math.exp %get3A_81 : vector<16xf32>
        %exp3A_155 = math.exp %get3A_85 : vector<16xf32>
        %exp3A_156 = math.exp %get3A_89 : vector<16xf32>
        %exp3A_157 = math.exp %get3A_93 : vector<16xf32>
        %exp3A_158 = math.exp %get3A_97 : vector<16xf32>
        %exp3A_159 = math.exp %get3A_101 : vector<16xf32>
        %exp3A_160 = math.exp %get3A_105 : vector<16xf32>
        %exp3A_161 = math.exp %get3A_109 : vector<16xf32>
        %exp3A_162 = math.exp %get3A_113 : vector<16xf32>
        %exp3A_163 = math.exp %get3A_117 : vector<16xf32>
        %exp3A_164 = math.exp %get3A_121 : vector<16xf32>
        %exp3A_165 = math.exp %get3A_125 : vector<16xf32>
        %exp3A_166 = math.exp %get3A_129 : vector<16xf32>
        %exp3A_167 = math.exp %get3A_133 : vector<16xf32>
        %exp3A_168 = math.exp %get3A_137 : vector<16xf32>
        %exp3A_169 = math.exp %get3A_141 : vector<16xf32>
        %exp3A_170 = math.exp %get3A_145 : vector<16xf32>
        %exp3A_171 = math.exp %get3A_149 : vector<16xf32>
        %exp3A_172 = math.exp %get3A_153 : vector<16xf32>
        %add3A_173 = arith.addf %exp3A, %exp3A_154 : vector<16xf32>
        %add3A_174 = arith.addf %add3A_173, %exp3A_155 : vector<16xf32>
        %add3A_175 = arith.addf %add3A_174, %exp3A_156 : vector<16xf32>
        %add3A_176 = arith.addf %add3A_175, %exp3A_157 : vector<16xf32>
        %add3A_177 = arith.addf %add3A_176, %exp3A_158 : vector<16xf32>
        %add3A_178 = arith.addf %add3A_177, %exp3A_159 : vector<16xf32>
        %add3A_179 = arith.addf %add3A_178, %exp3A_160 : vector<16xf32>
        %add3A_180 = arith.addf %add3A_179, %exp3A_161 : vector<16xf32>
        %add3A_181 = arith.addf %add3A_180, %exp3A_162 : vector<16xf32>
        %add3A_182 = arith.addf %add3A_181, %exp3A_163 : vector<16xf32>
        %add3A_183 = arith.addf %add3A_182, %exp3A_164 : vector<16xf32>
        %add3A_184 = arith.addf %add3A_183, %exp3A_165 : vector<16xf32>
        %add3A_185 = arith.addf %add3A_184, %exp3A_166 : vector<16xf32>
        %add3A_186 = arith.addf %add3A_185, %exp3A_167 : vector<16xf32>
        %add3A_187 = arith.addf %add3A_186, %exp3A_168 : vector<16xf32>
        %add3A_188 = arith.addf %add3A_187, %exp3A_169 : vector<16xf32>
        %add3A_189 = arith.addf %add3A_188, %exp3A_170 : vector<16xf32>
        %add3A_190 = arith.addf %add3A_189, %exp3A_171 : vector<16xf32>
        %add3A_191 = arith.addf %add3A_190, %exp3A_172 : vector<16xf32>
        %div3A = arith.constant 1.000000e+00 : f32
        %div3A_192 = vector.broadcast %div3A : f32 to vector<16xf32>
        %div3A_193 = arith.divf %div3A_192, %add3A_191 : vector<16xf32>
        %mul3A_194 = arith.mulf %exp3A, %div3A_193 : vector<16xf32>
        %add3A_195 = arith.constant 0 : i32
        %add3A_196 = arith.addi %add3A_195, %mul3A_34 : i32
        %swap3A = arith.index_cast %add3A_196 : i32 to index
        %swap3A_197 = tpu.vector_load %arg9[%swap3A] {strides = array<i32>} : memref<5120xf32, #tpu.memory_space<vmem>>, vector<16xf32>,
        tpu.vector_store %arg9[%swap3A], %mul3A_194 {strides = array<i32>} : memref<5120xf32, #tpu.memory_space<vmem>>, vector<16xf32>,
        %mul3A_198 = arith.mulf %exp3A_154, %div3A_193 : vector<16xf32>
        %add3A_199 = arith.constant 256 : i32
        %add3A_200 = arith.addi %add3A_199, %mul3A_34 : i32
        %swap3A_201 = arith.index_cast %add3A_200 : i32 to index
        %swap3A_202 = tpu.vector_load %arg9[%swap3A_201] {strides = array<i32>} : memref<5120xf32, #tpu.memory_space<vmem>>, vector<16xf32>,
        tpu.vector_store %arg9[%swap3A_201], %mul3A_198 {strides = array<i32>} : memref<5120xf32, #tpu.memory_space<vmem>>, vector<16xf32>,
        %mul3A_203 = arith.mulf %exp3A_155, %div3A_193 : vector<16xf32>
        %add3A_204 = arith.constant 512 : i32
        %add3A_205 = arith.addi %add3A_204, %mul3A_34 : i32
        %swap3A_206 = arith.index_cast %add3A_205 : i32 to index
        %swap3A_207 = tpu.vector_load %arg9[%swap3A_206] {strides = array<i32>} : memref<5120xf32, #tpu.memory_space<vmem>>, vector<16xf32>,
        tpu.vector_store %arg9[%swap3A_206], %mul3A_203 {strides = array<i32>} : memref<5120xf32, #tpu.memory_space<vmem>>, vector<16xf32>,
        %mul3A_208 = arith.mulf %exp3A_156, %div3A_193 : vector<16xf32>
        %add3A_209 = arith.constant 768 : i32
        %add3A_210 = arith.addi %add3A_209, %mul3A_34 : i32
        %swap3A_211 = arith.index_cast %add3A_210 : i32 to index
        %swap3A_212 = tpu.vector_load %arg9[%swap3A_211] {strides = array<i32>} : memref<5120xf32, #tpu.memory_space<vmem>>, vector<16xf32>,
        tpu.vector_store %arg9[%swap3A_211], %mul3A_208 {strides = array<i32>} : memref<5120xf32, #tpu.memory_space<vmem>>, vector<16xf32>,
        %mul3A_213 = arith.mulf %exp3A_157, %div3A_193 : vector<16xf32>
        %add3A_214 = arith.constant 1024 : i32
        %add3A_215 = arith.addi %add3A_214, %mul3A_34 : i32
        %swap3A_216 = arith.index_cast %add3A_215 : i32 to index
        %swap3A_217 = tpu.vector_load %arg9[%swap3A_216] {strides = array<i32>} : memref<5120xf32, #tpu.memory_space<vmem>>, vector<16xf32>,
        tpu.vector_store %arg9[%swap3A_216], %mul3A_213 {strides = array<i32>} : memref<5120xf32, #tpu.memory_space<vmem>>, vector<16xf32>,
        %mul3A_218 = arith.mulf %exp3A_158, %div3A_193 : vector<16xf32>
        %add3A_219 = arith.constant 1280 : i32
        %add3A_220 = arith.addi %add3A_219, %mul3A_34 : i32
        %swap3A_221 = arith.index_cast %add3A_220 : i32 to index
        %swap3A_222 = tpu.vector_load %arg9[%swap3A_221] {strides = array<i32>} : memref<5120xf32, #tpu.memory_space<vmem>>, vector<16xf32>,
        tpu.vector_store %arg9[%swap3A_221], %mul3A_218 {strides = array<i32>} : memref<5120xf32, #tpu.memory_space<vmem>>, vector<16xf32>,
        %mul3A_223 = arith.mulf %exp3A_159, %div3A_193 : vector<16xf32>
        %add3A_224 = arith.constant 1536 : i32
        %add3A_225 = arith.addi %add3A_224, %mul3A_34 : i32
        %swap3A_226 = arith.index_cast %add3A_225 : i32 to index
        %swap3A_227 = tpu.vector_load %arg9[%swap3A_226] {strides = array<i32>} : memref<5120xf32, #tpu.memory_space<vmem>>, vector<16xf32>,
        tpu.vector_store %arg9[%swap3A_226], %mul3A_223 {strides = array<i32>} : memref<5120xf32, #tpu.memory_space<vmem>>, vector<16xf32>,
        %mul3A_228 = arith.mulf %exp3A_160, %div3A_193 : vector<16xf32>
        %add3A_229 = arith.constant 1792 : i32
        %add3A_230 = arith.addi %add3A_229, %mul3A_34 : i32
        %swap3A_231 = arith.index_cast %add3A_230 : i32 to index
        %swap3A_232 = tpu.vector_load %arg9[%swap3A_231] {strides = array<i32>} : memref<5120xf32, #tpu.memory_space<vmem>>, vector<16xf32>,
        tpu.vector_store %arg9[%swap3A_231], %mul3A_228 {strides = array<i32>} : memref<5120xf32, #tpu.memory_space<vmem>>, vector<16xf32>,
        %mul3A_233 = arith.mulf %exp3A_161, %div3A_193 : vector<16xf32>
        %add3A_234 = arith.constant 2048 : i32
        %add3A_235 = arith.addi %add3A_234, %mul3A_34 : i32
        %swap3A_236 = arith.index_cast %add3A_235 : i32 to index
        %swap3A_237 = tpu.vector_load %arg9[%swap3A_236] {strides = array<i32>} : memref<5120xf32, #tpu.memory_space<vmem>>, vector<16xf32>,
        tpu.vector_store %arg9[%swap3A_236], %mul3A_233 {strides = array<i32>} : memref<5120xf32, #tpu.memory_space<vmem>>, vector<16xf32>,
        %mul3A_238 = arith.mulf %exp3A_162, %div3A_193 : vector<16xf32>
        %add3A_239 = arith.constant 2304 : i32
        %add3A_240 = arith.addi %add3A_239, %mul3A_34 : i32
        %swap3A_241 = arith.index_cast %add3A_240 : i32 to index
        %swap3A_242 = tpu.vector_load %arg9[%swap3A_241] {strides = array<i32>} : memref<5120xf32, #tpu.memory_space<vmem>>, vector<16xf32>,
        tpu.vector_store %arg9[%swap3A_241], %mul3A_238 {strides = array<i32>} : memref<5120xf32, #tpu.memory_space<vmem>>, vector<16xf32>,
        %mul3A_243 = arith.mulf %exp3A_163, %div3A_193 : vector<16xf32>
        %add3A_244 = arith.constant 2560 : i32
        %add3A_245 = arith.addi %add3A_244, %mul3A_34 : i32
        %swap3A_246 = arith.index_cast %add3A_245 : i32 to index
        %swap3A_247 = tpu.vector_load %arg9[%swap3A_246] {strides = array<i32>} : memref<5120xf32, #tpu.memory_space<vmem>>, vector<16xf32>,
        tpu.vector_store %arg9[%swap3A_246], %mul3A_243 {strides = array<i32>} : memref<5120xf32, #tpu.memory_space<vmem>>, vector<16xf32>,
        %mul3A_248 = arith.mulf %exp3A_164, %div3A_193 : vector<16xf32>
        %add3A_249 = arith.constant 2816 : i32
        %add3A_250 = arith.addi %add3A_249, %mul3A_34 : i32
        %swap3A_251 = arith.index_cast %add3A_250 : i32 to index
        %swap3A_252 = tpu.vector_load %arg9[%swap3A_251] {strides = array<i32>} : memref<5120xf32, #tpu.memory_space<vmem>>, vector<16xf32>,
        tpu.vector_store %arg9[%swap3A_251], %mul3A_248 {strides = array<i32>} : memref<5120xf32, #tpu.memory_space<vmem>>, vector<16xf32>,
        %mul3A_253 = arith.mulf %exp3A_165, %div3A_193 : vector<16xf32>
        %add3A_254 = arith.constant 3072 : i32
        %add3A_255 = arith.addi %add3A_254, %mul3A_34 : i32
        %swap3A_256 = arith.index_cast %add3A_255 : i32 to index
        %swap3A_257 = tpu.vector_load %arg9[%swap3A_256] {strides = array<i32>} : memref<5120xf32, #tpu.memory_space<vmem>>, vector<16xf32>,
        tpu.vector_store %arg9[%swap3A_256], %mul3A_253 {strides = array<i32>} : memref<5120xf32, #tpu.memory_space<vmem>>, vector<16xf32>,
        %mul3A_258 = arith.mulf %exp3A_166, %div3A_193 : vector<16xf32>
        %add3A_259 = arith.constant 3328 : i32
        %add3A_260 = arith.addi %add3A_259, %mul3A_34 : i32
        %swap3A_261 = arith.index_cast %add3A_260 : i32 to index
        %swap3A_262 = tpu.vector_load %arg9[%swap3A_261] {strides = array<i32>} : memref<5120xf32, #tpu.memory_space<vmem>>, vector<16xf32>,
        tpu.vector_store %arg9[%swap3A_261], %mul3A_258 {strides = array<i32>} : memref<5120xf32, #tpu.memory_space<vmem>>, vector<16xf32>,
        %mul3A_263 = arith.mulf %exp3A_167, %div3A_193 : vector<16xf32>
        %add3A_264 = arith.constant 3584 : i32
        %add3A_265 = arith.addi %add3A_264, %mul3A_34 : i32
        %swap3A_266 = arith.index_cast %add3A_265 : i32 to index
        %swap3A_267 = tpu.vector_load %arg9[%swap3A_266] {strides = array<i32>} : memref<5120xf32, #tpu.memory_space<vmem>>, vector<16xf32>,
        tpu.vector_store %arg9[%swap3A_266], %mul3A_263 {strides = array<i32>} : memref<5120xf32, #tpu.memory_space<vmem>>, vector<16xf32>,
        %mul3A_268 = arith.mulf %exp3A_168, %div3A_193 : vector<16xf32>
        %add3A_269 = arith.constant 3840 : i32
        %add3A_270 = arith.addi %add3A_269, %mul3A_34 : i32
        %swap3A_271 = arith.index_cast %add3A_270 : i32 to index
        %swap3A_272 = tpu.vector_load %arg9[%swap3A_271] {strides = array<i32>} : memref<5120xf32, #tpu.memory_space<vmem>>, vector<16xf32>,
        tpu.vector_store %arg9[%swap3A_271], %mul3A_268 {strides = array<i32>} : memref<5120xf32, #tpu.memory_space<vmem>>, vector<16xf32>,
        %mul3A_273 = arith.mulf %exp3A_169, %div3A_193 : vector<16xf32>
        %add3A_274 = arith.constant 4096 : i32
        %add3A_275 = arith.addi %add3A_274, %mul3A_34 : i32
        %swap3A_276 = arith.index_cast %add3A_275 : i32 to index
        %swap3A_277 = tpu.vector_load %arg9[%swap3A_276] {strides = array<i32>} : memref<5120xf32, #tpu.memory_space<vmem>>, vector<16xf32>,
        tpu.vector_store %arg9[%swap3A_276], %mul3A_273 {strides = array<i32>} : memref<5120xf32, #tpu.memory_space<vmem>>, vector<16xf32>,
        %mul3A_278 = arith.mulf %exp3A_170, %div3A_193 : vector<16xf32>
        %add3A_279 = arith.constant 4352 : i32
        %add3A_280 = arith.addi %add3A_279, %mul3A_34 : i32
        %swap3A_281 = arith.index_cast %add3A_280 : i32 to index
        %swap3A_282 = tpu.vector_load %arg9[%swap3A_281] {strides = array<i32>} : memref<5120xf32, #tpu.memory_space<vmem>>, vector<16xf32>,
        tpu.vector_store %arg9[%swap3A_281], %mul3A_278 {strides = array<i32>} : memref<5120xf32, #tpu.memory_space<vmem>>, vector<16xf32>,
        %mul3A_283 = arith.mulf %exp3A_171, %div3A_193 : vector<16xf32>
        %add3A_284 = arith.constant 4608 : i32
        %add3A_285 = arith.addi %add3A_284, %mul3A_34 : i32
        %swap3A_286 = arith.index_cast %add3A_285 : i32 to index
        %swap3A_287 = tpu.vector_load %arg9[%swap3A_286] {strides = array<i32>} : memref<5120xf32, #tpu.memory_space<vmem>>, vector<16xf32>,
        tpu.vector_store %arg9[%swap3A_286], %mul3A_283 {strides = array<i32>} : memref<5120xf32, #tpu.memory_space<vmem>>, vector<16xf32>,
        %mul3A_288 = arith.mulf %exp3A_172, %div3A_193 : vector<16xf32>
        %add3A_289 = arith.constant 4864 : i32
        %add3A_290 = arith.addi %add3A_289, %mul3A_34 : i32
        %swap3A_291 = arith.index_cast %add3A_290 : i32 to index
        %swap3A_292 = tpu.vector_load %arg9[%swap3A_291] {strides = array<i32>} : memref<5120xf32, #tpu.memory_space<vmem>>, vector<16xf32>,
        tpu.vector_store %arg9[%swap3A_291], %mul3A_288 {strides = array<i32>} : memref<5120xf32, #tpu.memory_space<vmem>>, vector<16xf32>,
        %sub3A = arith.subf %get3A_73, %get3A_69 : vector<16xf32>
        %exp3A_293 = math.exp %sub3A : vector<16xf32>
        %add3A_294 = arith.constant 1.000000e+00 : f32
        %add3A_295 = vector.broadcast %add3A_294 : f32 to vector<16xf32>
        %add3A_296 = arith.addf %add3A_295, %exp3A_293 : vector<16xf32>
        %div3A_297 = arith.constant 1.000000e+00 : f32
        %div3A_298 = vector.broadcast %div3A_297 : f32 to vector<16xf32>
        %div3A_299 = arith.divf %div3A_298, %add3A_296 : vector<16xf32>
        %swap3A_300 = arith.index_cast %mul3A_34 : i32 to index
        %swap3A_301 = tpu.vector_load %arg7[%swap3A_300] {strides = array<i32>} : memref<256xf32, #tpu.memory_space<vmem>>, vector<16xf32>,
        tpu.vector_store %arg7[%swap3A_300], %div3A_299 {strides = array<i32>} : memref<256xf32, #tpu.memory_space<vmem>>, vector<16xf32>,
        %neg3A = arith.constant 0.000000e+00 : f32
        %neg3A_302 = vector.broadcast %neg3A : f32 to vector<16xf32>
        %neg3A_303 = arith.subf %neg3A_302, %get3A_37 : vector<16xf32>
        %exp3A_304 = math.exp %neg3A_303 : vector<16xf32>
        %add3A_305 = arith.constant 1.000000e+00 : f32
        %add3A_306 = vector.broadcast %add3A_305 : f32 to vector<16xf32>
        %add3A_307 = arith.addf %add3A_306, %exp3A_304 : vector<16xf32>
        %div3A_308 = arith.constant 1.000000e+00 : f32
        %div3A_309 = vector.broadcast %div3A_308 : f32 to vector<16xf32>
        %div3A_310 = arith.divf %div3A_309, %add3A_307 : vector<16xf32>
        %add3A_311 = arith.constant 0 : i32
        %add3A_312 = arith.addi %add3A_311, %mul3A_34 : i32
        %swap3A_313 = arith.index_cast %add3A_312 : i32 to index
        %swap3A_314 = tpu.vector_load %arg8[%swap3A_313] {strides = array<i32>} : memref<2048xf32, #tpu.memory_space<vmem>>, vector<16xf32>,
        tpu.vector_store %arg8[%swap3A_313], %div3A_310 {strides = array<i32>} : memref<2048xf32, #tpu.memory_space<vmem>>, vector<16xf32>,
        %neg3A_315 = arith.constant 0.000000e+00 : f32
        %neg3A_316 = vector.broadcast %neg3A_315 : f32 to vector<16xf32>
        %neg3A_317 = arith.subf %neg3A_316, %get3A_41 : vector<16xf32>
        %exp3A_318 = math.exp %neg3A_317 : vector<16xf32>
        %add3A_319 = arith.constant 1.000000e+00 : f32
        %add3A_320 = vector.broadcast %add3A_319 : f32 to vector<16xf32>
        %add3A_321 = arith.addf %add3A_320, %exp3A_318 : vector<16xf32>
        %div3A_322 = arith.constant 1.000000e+00 : f32
        %div3A_323 = vector.broadcast %div3A_322 : f32 to vector<16xf32>
        %div3A_324 = arith.divf %div3A_323, %add3A_321 : vector<16xf32>
        %add3A_325 = arith.constant 256 : i32
        %add3A_326 = arith.addi %add3A_325, %mul3A_34 : i32
        %swap3A_327 = arith.index_cast %add3A_326 : i32 to index
        %swap3A_328 = tpu.vector_load %arg8[%swap3A_327] {strides = array<i32>} : memref<2048xf32, #tpu.memory_space<vmem>>, vector<16xf32>,
        tpu.vector_store %arg8[%swap3A_327], %div3A_324 {strides = array<i32>} : memref<2048xf32, #tpu.memory_space<vmem>>, vector<16xf32>,
        %neg3A_329 = arith.constant 0.000000e+00 : f32
        %neg3A_330 = vector.broadcast %neg3A_329 : f32 to vector<16xf32>
        %neg3A_331 = arith.subf %neg3A_330, %get3A_45 : vector<16xf32>
        %exp3A_332 = math.exp %neg3A_331 : vector<16xf32>
        %add3A_333 = arith.constant 1.000000e+00 : f32
        %add3A_334 = vector.broadcast %add3A_333 : f32 to vector<16xf32>
        %add3A_335 = arith.addf %add3A_334, %exp3A_332 : vector<16xf32>
        %div3A_336 = arith.constant 1.000000e+00 : f32
        %div3A_337 = vector.broadcast %div3A_336 : f32 to vector<16xf32>
        %div3A_338 = arith.divf %div3A_337, %add3A_335 : vector<16xf32>
        %add3A_339 = arith.constant 512 : i32
        %add3A_340 = arith.addi %add3A_339, %mul3A_34 : i32
        %swap3A_341 = arith.index_cast %add3A_340 : i32 to index
        %swap3A_342 = tpu.vector_load %arg8[%swap3A_341] {strides = array<i32>} : memref<2048xf32, #tpu.memory_space<vmem>>, vector<16xf32>,
        tpu.vector_store %arg8[%swap3A_341], %div3A_338 {strides = array<i32>} : memref<2048xf32, #tpu.memory_space<vmem>>, vector<16xf32>,
        %neg3A_343 = arith.constant 0.000000e+00 : f32
        %neg3A_344 = vector.broadcast %neg3A_343 : f32 to vector<16xf32>
        %neg3A_345 = arith.subf %neg3A_344, %get3A_49 : vector<16xf32>
        %exp3A_346 = math.exp %neg3A_345 : vector<16xf32>
        %add3A_347 = arith.constant 1.000000e+00 : f32
        %add3A_348 = vector.broadcast %add3A_347 : f32 to vector<16xf32>
        %add3A_349 = arith.addf %add3A_348, %exp3A_346 : vector<16xf32>
        %div3A_350 = arith.constant 1.000000e+00 : f32
        %div3A_351 = vector.broadcast %div3A_350 : f32 to vector<16xf32>
        %div3A_352 = arith.divf %div3A_351, %add3A_349 : vector<16xf32>
        %add3A_353 = arith.constant 768 : i32
        %add3A_354 = arith.addi %add3A_353, %mul3A_34 : i32
        %swap3A_355 = arith.index_cast %add3A_354 : i32 to index
        %swap3A_356 = tpu.vector_load %arg8[%swap3A_355] {strides = array<i32>} : memref<2048xf32, #tpu.memory_space<vmem>>, vector<16xf32>,
        tpu.vector_store %arg8[%swap3A_355], %div3A_352 {strides = array<i32>} : memref<2048xf32, #tpu.memory_space<vmem>>, vector<16xf32>,
        %neg3A_357 = arith.constant 0.000000e+00 : f32
        %neg3A_358 = vector.broadcast %neg3A_357 : f32 to vector<16xf32>
        %neg3A_359 = arith.subf %neg3A_358, %get3A_53 : vector<16xf32>
        %exp3A_360 = math.exp %neg3A_359 : vector<16xf32>
        %add3A_361 = arith.constant 1.000000e+00 : f32
        %add3A_362 = vector.broadcast %add3A_361 : f32 to vector<16xf32>
        %add3A_363 = arith.addf %add3A_362, %exp3A_360 : vector<16xf32>
        %div3A_364 = arith.constant 1.000000e+00 : f32
        %div3A_365 = vector.broadcast %div3A_364 : f32 to vector<16xf32>
        %div3A_366 = arith.divf %div3A_365, %add3A_363 : vector<16xf32>
        %add3A_367 = arith.constant 1024 : i32
        %add3A_368 = arith.addi %add3A_367, %mul3A_34 : i32
        %swap3A_369 = arith.index_cast %add3A_368 : i32 to index
        %swap3A_370 = tpu.vector_load %arg8[%swap3A_369] {strides = array<i32>} : memref<2048xf32, #tpu.memory_space<vmem>>, vector<16xf32>,
        tpu.vector_store %arg8[%swap3A_369], %div3A_366 {strides = array<i32>} : memref<2048xf32, #tpu.memory_space<vmem>>, vector<16xf32>,
        %neg3A_371 = arith.constant 0.000000e+00 : f32
        %neg3A_372 = vector.broadcast %neg3A_371 : f32 to vector<16xf32>
        %neg3A_373 = arith.subf %neg3A_372, %get3A_57 : vector<16xf32>
        %exp3A_374 = math.exp %neg3A_373 : vector<16xf32>
        %add3A_375 = arith.constant 1.000000e+00 : f32
        %add3A_376 = vector.broadcast %add3A_375 : f32 to vector<16xf32>
        %add3A_377 = arith.addf %add3A_376, %exp3A_374 : vector<16xf32>
        %div3A_378 = arith.constant 1.000000e+00 : f32
        %div3A_379 = vector.broadcast %div3A_378 : f32 to vector<16xf32>
        %div3A_380 = arith.divf %div3A_379, %add3A_377 : vector<16xf32>
        %add3A_381 = arith.constant 1280 : i32
        %add3A_382 = arith.addi %add3A_381, %mul3A_34 : i32
        %swap3A_383 = arith.index_cast %add3A_382 : i32 to index
        %swap3A_384 = tpu.vector_load %arg8[%swap3A_383] {strides = array<i32>} : memref<2048xf32, #tpu.memory_space<vmem>>, vector<16xf32>,
        tpu.vector_store %arg8[%swap3A_383], %div3A_380 {strides = array<i32>} : memref<2048xf32, #tpu.memory_space<vmem>>, vector<16xf32>,
        %neg3A_385 = arith.constant 0.000000e+00 : f32
        %neg3A_386 = vector.broadcast %neg3A_385 : f32 to vector<16xf32>
        %neg3A_387 = arith.subf %neg3A_386, %get3A_61 : vector<16xf32>
        %exp3A_388 = math.exp %neg3A_387 : vector<16xf32>
        %add3A_389 = arith.constant 1.000000e+00 : f32
        %add3A_390 = vector.broadcast %add3A_389 : f32 to vector<16xf32>
        %add3A_391 = arith.addf %add3A_390, %exp3A_388 : vector<16xf32>
        %div3A_392 = arith.constant 1.000000e+00 : f32
        %div3A_393 = vector.broadcast %div3A_392 : f32 to vector<16xf32>
        %div3A_394 = arith.divf %div3A_393, %add3A_391 : vector<16xf32>
        %add3A_395 = arith.constant 1536 : i32
        %add3A_396 = arith.addi %add3A_395, %mul3A_34 : i32
        %swap3A_397 = arith.index_cast %add3A_396 : i32 to index
        %swap3A_398 = tpu.vector_load %arg8[%swap3A_397] {strides = array<i32>} : memref<2048xf32, #tpu.memory_space<vmem>>, vector<16xf32>,
        tpu.vector_store %arg8[%swap3A_397], %div3A_394 {strides = array<i32>} : memref<2048xf32, #tpu.memory_space<vmem>>, vector<16xf32>,
        %neg3A_399 = arith.constant 0.000000e+00 : f32
        %neg3A_400 = vector.broadcast %neg3A_399 : f32 to vector<16xf32>
        %neg3A_401 = arith.subf %neg3A_400, %get3A_65 : vector<16xf32>
        %exp3A_402 = math.exp %neg3A_401 : vector<16xf32>
        %add3A_403 = arith.constant 1.000000e+00 : f32
        %add3A_404 = vector.broadcast %add3A_403 : f32 to vector<16xf32>
        %add3A_405 = arith.addf %add3A_404, %exp3A_402 : vector<16xf32>
        %div3A_406 = arith.constant 1.000000e+00 : f32
        %div3A_407 = vector.broadcast %div3A_406 : f32 to vector<16xf32>
        %div3A_408 = arith.divf %div3A_407, %add3A_405 : vector<16xf32>
        %add3A_409 = arith.constant 1792 : i32
        %add3A_410 = arith.addi %add3A_409, %mul3A_34 : i32
        %swap3A_411 = arith.index_cast %add3A_410 : i32 to index
        %swap3A_412 = tpu.vector_load %arg8[%swap3A_411] {strides = array<i32>} : memref<2048xf32, #tpu.memory_space<vmem>>, vector<16xf32>,
        tpu.vector_store %arg8[%swap3A_411], %div3A_408 {strides = array<i32>} : memref<2048xf32, #tpu.memory_space<vmem>>, vector<16xf32>,
      }
      %scan3A_25 = arith.constant 16 : i32
      %mul3A_26 = arith.constant 256 : i32
      %mul3A_27 = arith.muli %add3A_15, %mul3A_26 : i32
      "tpu.region"() ({
        %run_scoped3A = tpu.sem_alloc : memref<!tpu.dma_semaphore, #tpu.memory_space<semaphore_mem>>
        %dma_start3A = tpu.memref_slice %arg3[%mul3A_27] : memref<12544xf32, #tpu.memory_space<hbm>> -> memref<256xf32, #tpu.memory_space<hbm>>
        %dma_start3A_32 = tpu.memref_slice %arg3[%mul3A_27] : memref<12544xf32, #tpu.memory_space<hbm>> -> memref<256xf32, #tpu.memory_space<hbm>>
        tpu.enqueue_dma source(%arg7 : memref<256xf32, #tpu.memory_space<vmem>>) target(%dma_start3A_32 : memref<256xf32, #tpu.memory_space<hbm>>) target_semaphore(%run_scoped3A : memref<!tpu.dma_semaphore, #tpu.memory_space<semaphore_mem>>)
        %dma_wait3A = tpu.memref_slice %arg3[%mul3A_27] : memref<12544xf32, #tpu.memory_space<hbm>> -> memref<256xf32, #tpu.memory_space<hbm>>
        %dma_wait3A_33 = tpu.memref_slice %arg3[%mul3A_27] : memref<12544xf32, #tpu.memory_space<hbm>> -> memref<256xf32, #tpu.memory_space<hbm>>
        tpu.wait_dma2 semaphore(%run_scoped3A : memref<!tpu.dma_semaphore, #tpu.memory_space<semaphore_mem>>) src(%arg7 : memref<256xf32, #tpu.memory_space<vmem>>) dst(%dma_wait3A_33 : memref<256xf32, #tpu.memory_space<hbm>>)
        tpu.yield
      }) : () -> ()
      %mul3A_28 = arith.constant 2048 : i32
      %mul3A_29 = arith.muli %add3A_15, %mul3A_28 : i32
      "tpu.region"() ({
        %run_scoped3A = tpu.sem_alloc : memref<!tpu.dma_semaphore, #tpu.memory_space<semaphore_mem>>
        %dma_start3A = tpu.memref_slice %arg4[%mul3A_29] : memref<100352xf32, #tpu.memory_space<hbm>> -> memref<2048xf32, #tpu.memory_space<hbm>>
        %dma_start3A_32 = tpu.memref_slice %arg4[%mul3A_29] : memref<100352xf32, #tpu.memory_space<hbm>> -> memref<2048xf32, #tpu.memory_space<hbm>>
        tpu.enqueue_dma source(%arg8 : memref<2048xf32, #tpu.memory_space<vmem>>) target(%dma_start3A_32 : memref<2048xf32, #tpu.memory_space<hbm>>) target_semaphore(%run_scoped3A : memref<!tpu.dma_semaphore, #tpu.memory_space<semaphore_mem>>)
        %dma_wait3A = tpu.memref_slice %arg4[%mul3A_29] : memref<100352xf32, #tpu.memory_space<hbm>> -> memref<2048xf32, #tpu.memory_space<hbm>>
        %dma_wait3A_33 = tpu.memref_slice %arg4[%mul3A_29] : memref<100352xf32, #tpu.memory_space<hbm>> -> memref<2048xf32, #tpu.memory_space<hbm>>
        tpu.wait_dma2 semaphore(%run_scoped3A : memref<!tpu.dma_semaphore, #tpu.memory_space<semaphore_mem>>) src(%arg8 : memref<2048xf32, #tpu.memory_space<vmem>>) dst(%dma_wait3A_33 : memref<2048xf32, #tpu.memory_space<hbm>>)
        tpu.yield
      }) : () -> ()
      %mul3A_30 = arith.constant 5120 : i32
      %mul3A_31 = arith.muli %add3A_15, %mul3A_30 : i32
      "tpu.region"() ({
        %run_scoped3A = tpu.sem_alloc : memref<!tpu.dma_semaphore, #tpu.memory_space<semaphore_mem>>
        %dma_start3A = tpu.memref_slice %arg5[%mul3A_31] : memref<250880xf32, #tpu.memory_space<hbm>> -> memref<5120xf32, #tpu.memory_space<hbm>>
        %dma_start3A_32 = tpu.memref_slice %arg5[%mul3A_31] : memref<250880xf32, #tpu.memory_space<hbm>> -> memref<5120xf32, #tpu.memory_space<hbm>>
        tpu.enqueue_dma source(%arg9 : memref<5120xf32, #tpu.memory_space<vmem>>) target(%dma_start3A_32 : memref<5120xf32, #tpu.memory_space<hbm>>) target_semaphore(%run_scoped3A : memref<!tpu.dma_semaphore, #tpu.memory_space<semaphore_mem>>)
        %dma_wait3A = tpu.memref_slice %arg5[%mul3A_31] : memref<250880xf32, #tpu.memory_space<hbm>> -> memref<5120xf32, #tpu.memory_space<hbm>>
        %dma_wait3A_33 = tpu.memref_slice %arg5[%mul3A_31] : memref<250880xf32, #tpu.memory_space<hbm>> -> memref<5120xf32, #tpu.memory_space<hbm>>
        tpu.wait_dma2 semaphore(%run_scoped3A : memref<!tpu.dma_semaphore, #tpu.memory_space<semaphore_mem>>) src(%arg9 : memref<5120xf32, #tpu.memory_space<vmem>>) dst(%dma_wait3A_33 : memref<5120xf32, #tpu.memory_space<hbm>>)
        tpu.yield
      }) : () -> ()
    } else {
    }
    return
  }
}

</mosaic_0001>

<sc_bundles>
// kernel: kernel.3.cloned.1.call-start
scs
__scs_entry_jumppad:
0x0: {  	(pc) =	sbr.rel $0x88, $3  }
0x1: {  	(tag) =	ssettag $0x0;
	lr =	simm.s32 $0x1  }
0x2: {  	[smem:$0x3FA0] =	sst lr;
	_ =	strace $0xD0000000  }
0x3: {  	_ = 	snop  }
0x4: {  	_ = 	snop  }
0x5: {  	_ = 	snop  }
0x6: {  	_ = 	snop  }
0x7: {  	_ = 	snop  }
__scs_overlays_trampoline_lowered:
0x8: {  	[smem:$0x3FAF] =	sst s0  }
0x9: {  	[smem:$0x3FB0] =	sst s1  }
0xa: {  	[smem:$0x3FB1] =	sst s2  }
0xb: {  	[smem:$0x3FB2] =	sst s3  }
0xc: {  	[smem:$0x3FB3] =	sst s4  }
0xd: {  	[smem:$0x3FB4] =	sst s5  }
0xe: {  	[smem:$0x3FB5] =	sst s6  }
0xf: {  	[smem:$0x3FB6] =	sst s7  }
0x10: {  	[smem:$0x3FB7] =	sst s8  }
0x11: {  	[smem:$0x3FB8] =	sst s9;
	s0 =	simm.s32 @!p0 $0x0  }
0x12: {  	s1 =	sld [smem:$0x3F9E];
	s0 =	simm.s32 @p0 $0x1  }
0x13: {  	[smem:$0x3FB9] =	sst s0;
	s0 =	simm.s32 @!p1 $0x0  }
0x14: {  	s2 =	sld [smem:$0x3F9D];
	s0 =	simm.s32 @p1 $0x1  }
0x15: {  	[smem:$0x3FBA] =	sst s0;
	s0 =	simm.s32 @!p2 $0x0  }
0x16: {  	s3 =	sld [smem:$0x3FDB];
	s0 =	simm.s32 @p2 $0x1  }
0x17: {  	s4 =	simm.s32 $0x1BF5;
	[smem:$0x3FBC] =	sst s0  }
0x18: {  	s0 =	sld [smem:$0x3F9F];
	_ =	swait.ge [sflag:s4], $0x0  }
0x19: {  	s7 =	sld [smem:$0x3FA0]  }
0x1a: {  	s8 =	sadd.s32 $0xFFFFE003, lr  }
0x1b: {  	s9 =	sadd.s32 $0xFFFFFEF7, lr;
	s5 =	simm.s32 $0xFFFFFFFF;
	p2 =	slt.u32 s8, $0xFFFFF086  }
0x1c: {  	p1 =	slt.u32 s9, $0xF7A;
	s5 =	simm.s32 @!p2 $0x0  }
0x1d: {  	s5 =	simm.s32 @p1 $0x1;
	p0 =	seq.s32 s7, s2  }
0x1e: {  	s7 =	smul.u32 @!p0 $0xF7A, s2;
	p2 =	seq.s32 @!p0 s5, $0x0  }
0x1f: {  	s9 =	smul.u32 $0xF7A, s1;
	s8 =	simm.s32 @!p0 $0x1BF5;
	p2 =	por !p2, p0  }
0x20: {  	[sflag:s8] =	ssyncset.s32 @!p0 $0xFFFFF086;
	s6 =	sadd.s32 @!p0 s3, s7;
	s7 =	simm.s32 @!p0 $0x108  }
0x21: {  	s3 =	sadd.s32 s3, s9;
	s6 =	sadd.s32 @!p0 $0x88, s6;
	s7 =	simm.s32 @p2 $0x1082  }
0x22: {  	[simem:s7], [sflag:s8] =	dma.local @!p0 [hbm:s6], $0xF7A  }
0x23: {  	s9 =	sor.u32 $0xD0000000, s2;
	s6 =	simm.s32 $0x108;
	_ =	swait.ge @!p0 [sflag:s8], $0x0  }
0x24: {  	s3 =	sadd.s32 $0x88, s3;
	s6 =	simm.s32 @!p1 $0x1082;
	[sflag:s4] =	ssyncset.s32 $0xFFFFF086  }
0x25: {  	[simem:s6], [sflag:s4] =	dma.local [hbm:s3], $0xF7A  }
0x26: {  	[smem:$0x3FA0] =	sst s1;
	(tag) =	ssettag s2;
	_ =	strace s9  }
0x27: {  	s1 =	sld [smem:$0x3FB0]  }
0x28: {  	s2 =	sld [smem:$0x3FB1]  }
0x29: {  	s4 =	sld [smem:$0x3FB3]  }
0x2a: {  	p0 =	seq.s32 s5, $0x0;
	s5 =	sld [smem:$0x3FB4]  }
0x2b: {  	s6 =	sld [smem:$0x3FB5]  }
0x2c: {  	s7 =	sld [smem:$0x3FB6]  }
0x2d: {  	s3 =	simm.s32 $0x108;
	s8 =	sld [smem:$0x3FB7]  }
0x2e: {  	s3 =	simm.s32 @!p0 $0x1082;
	s9 =	sld [smem:$0x3FB8]  }
0x2f: {  	lr =	sadd.s32 s0, s3;
	s0 =	sld [smem:$0x3FAF]  }
0x30: {  	s3 =	sld [smem:$0x3FB2]  }
0x31: {  	[smem:$0x3FBB] =	sst s10  }
0x32: {  	s10 =	sld [smem:$0x3FB9];
	_ =	sdelay $0x3  }
0x33: {  	p0 =	seq.s32 s10, $0x1;
	s10 =	sld [smem:$0x3FBB];
	_ =	sdelay $0x3  }
0x34: {  	[smem:$0x3FBB] =	sst s10  }
0x35: {  	s10 =	sld [smem:$0x3FBA];
	_ =	sdelay $0x3  }
0x36: {  	p1 =	seq.s32 s10, $0x1;
	s10 =	sld [smem:$0x3FBB];
	_ =	sdelay $0x3  }
0x37: {  	[smem:$0x3FBB] =	sst s10  }
0x38: {  	s10 =	sld [smem:$0x3FBC]  }
0x39: {  	_ = 	snop;
	(pc) =	sbr.ind lr, $3  }
0x3a: {  	_ = 	snop  }
0x3b: {  	_ = 	snop  }
0x3c: {  	p2 =	seq.s32 s10, $0x1;
	s10 =	sld [smem:$0x3FBB]  }
0x3d: {  	_ =	shalt  }
0x3e: {  	_ =	shalt  }
0x3f: {  	_ =	shalt  }
0x40: {  	_ =	shalt  }
0x41: {  	_ =	shalt  }
0x42: {  	_ =	shalt  }
0x43: {  	_ =	shalt  }
0x44: {  	_ =	shalt  }
0x45: {  	_ =	shalt  }
0x46: {  	_ =	shalt  }
0x47: {  	_ =	shalt  }
0x48: {  	_ =	shalt  }
0x49: {  	_ =	shalt  }
0x4a: {  	_ =	shalt  }
0x4b: {  	_ =	shalt  }
0x4c: {  	_ =	shalt  }
0x4d: {  	_ =	shalt  }
0x4e: {  	_ =	shalt  }
0x4f: {  	_ =	shalt  }
0x50: {  	_ =	shalt  }
0x51: {  	_ =	shalt  }
0x52: {  	_ =	shalt  }
0x53: {  	_ =	shalt  }
0x54: {  	_ =	shalt  }
0x55: {  	_ =	shalt  }
0x56: {  	_ =	shalt  }
0x57: {  	_ =	shalt  }
0x58: {  	_ =	shalt  }
0x59: {  	_ =	shalt  }
0x5a: {  	_ =	shalt  }
0x5b: {  	_ =	shalt  }
0x5c: {  	_ =	shalt  }
0x5d: {  	_ =	shalt  }
0x5e: {  	_ =	shalt  }
0x5f: {  	_ =	shalt  }
0x60: {  	_ =	shalt  }
0x61: {  	_ =	shalt  }
0x62: {  	_ =	shalt  }
0x63: {  	_ =	shalt  }
0x64: {  	_ =	shalt  }
0x65: {  	_ =	shalt  }
0x66: {  	_ =	shalt  }
0x67: {  	_ =	shalt  }
0x68: {  	_ =	shalt  }
0x69: {  	_ =	shalt  }
0x6a: {  	_ =	shalt  }
0x6b: {  	_ =	shalt  }
0x6c: {  	_ =	shalt  }
0x6d: {  	_ =	shalt  }
0x6e: {  	_ =	shalt  }
0x6f: {  	_ =	shalt  }
0x70: {  	_ =	shalt  }
0x71: {  	_ =	shalt  }
0x72: {  	_ =	shalt  }
0x73: {  	_ =	shalt  }
0x74: {  	_ =	shalt  }
0x75: {  	_ =	shalt  }
0x76: {  	_ =	shalt  }
0x77: {  	_ =	shalt  }
0x78: {  	_ =	shalt  }
0x79: {  	_ =	shalt  }
0x7a: {  	_ =	shalt  }
0x7b: {  	_ =	shalt  }
0x7c: {  	_ =	shalt  }
0x7d: {  	_ =	shalt  }
0x7e: {  	_ =	shalt  }
0x7f: {  	_ =	shalt  }
0x80: {  	_ =	shalt  }
0x81: {  	_ =	shalt  }
0x82: {  	_ =	shalt  }
0x83: {  	_ =	shalt  }
0x84: {  	_ =	shalt  }
0x85: {  	_ =	shalt  }
0x86: {  	_ =	shalt  }
0x87: {  	_ =	shalt  }
.Lfunc_end0:
.L_simem_size_0:
called_computation_lowered:
.L_overlay_start_0:
0x88: {  	s2 =	sld [smem:$0x3FD9]  }
0x89: {  	s3 =	sld [smem:$0x3FFE];
	_ =	sdelay $0x1  }
0x8a: {  	s1 =	srdreg.scid  }
0x8b: {  	s0 =	sand.u32 $0x1, s1  }
0x8c: {  	s14 =	sshll.u32 s0, $0xA;
	s2 =	sadd.s32 s3, s2  }
0x8d: {  	s2 =	sadd.s32 s2, s14  }
0x8e: {  	[smem:$0x3FC7] =	sst s2  }
0x8f: {  	_ = 	snop  }
0x90: {  	s2 =	sld [smem:$0x3FD0];
	_ =	sdelay $0x2  }
0x91: {  	s15 =	simm.s32 $0xA;
	s4 =	simm.s32 $0x10  }
0x92: {  	[smem:s4], [sflag:s15] =	dma.local [hbm:s2], $0x1  }
0x93: {  	_ =	swait.eq [sflag:s15], $0x1  }
0x94: {  	[sflag:s15] =	ssyncset.done $0x0  }
0x95: {  	s16 =	sld [smem:$0x11];
	[sflag:s15] =	ssyncadd.s32 $0xFFFFFFFF  }
0x96: {  	s17 =	sld [smem:$0x12];
	(tm) =	ssettm $0x1  }
0x97: {  	s18 =	sld [smem:$0x3FFB];
	_ =	sdelay $0x3  }
0x98: {  	_ =	strace s18  }
0x99: {  	s4 =	sld [smem:$0x3FFC];
	_ =	sdelay $0x3  }
0x9a: {  	_ =	strace s4  }
0x9b: {  	s4 =	sld [smem:$0x3FFD];
	_ =	sdelay $0x3  }
0x9c: {  	_ =	strace s4  }
0x9d: {  	_ =	strace $0x8FFFFFFF  }
0x9e: {  	s19 =	sld [smem:$0x3FDB];
	_ =	sdelay $0x1  }
0x9f: {  	s5 =	simm.s32 $_scs_section_size  }
0xa0: {  	s6 =	simm.s32 $_size__tile_overlayer_lowered;
	s7 =	simm.s32 $_tile_overlayer_lowered  }
0xa1: {  	s22 =	simm.s32 $0x1BFF;
	s21 =	sshll.u32 s7, $0x1;
	s4 =	sadd.s32 s5, s19  }
0xa2: {  	s8 =	simm.s32 $0x0;
	s20 =	sshll.u32 s6, $0x1;
	s6 =	sadd.s32 s21, s4  }
0xa3: {  	[timem:s8], [sflag:s22] =	dma.local [hbm:s6], s20  }
0xa4: {  	_ =	swait.ge [sflag:s22], s20  }
0xa5: {  	s5 =	ssub.s32 $0x0, s20;
	[sflag:s22] =	ssyncset.done $0x0  }
0xa6: {  	[sflag:s22] =	ssyncadd.s32 s5;
	_ =	sdelay $0x1  }
0xa7: {  	s23 =	simm.s32 $0x1B8B  }
0xa8: {  	_ =	swait.ge [sflag:s23], $0x1  }
0xa9: {  	[sflag:s23] =	ssyncset.done $0x0  }
0xaa: {  	s25 =	simm.s32 $0x1B8E;
	s24 =	sld [smem:$0x3FFE];
	[sflag:s23] =	ssyncadd.s32 $0xFFFFFFFF  }
0xab: {  	s26 =	simm.s32 $execute0_lowered;
	[smem:$0x3FD2] =	sst s25  }
0xac: {  	s6 =	sshll.u32 s26, $0x1;
	_ =	strace $0x80000046;
	[dreg:$0x1] =	wrdreg $0xFFFFFFFF  }
0xad: {  	s28 =	simm.s32 $_size_execute0_lowered;
	s4 =	sadd.s32 s4, s6;
	[dreg:$0x0] =	wrdreg $0x0  }
0xae: {  	s6 =	sshll.u32 s28, $0x1;
	[dreg:$0x2] =	wrdreg s4  }
0xaf: {  	[dreg:$0x3] =	wrdreg s6  }
0xb0: {  	[dreg:$0x4] =	wrdreg $0xC0  }
0xb1: {  	_ =	task [dreg:s8], $0x5FFFF  }
0xb2: {  	[dreg:$0x1] =	wrdreg $0xFFFFFFFF  }
0xb3: {  	[dreg:$0x0] =	wrdreg $0x60  }
0xb4: {  	[dreg:$0x2] =	wrdreg s24  }
0xb5: {  	[dreg:$0x3] =	wrdreg s16  }
0xb6: {  	[dreg:$0x4] =	wrdreg s17  }
0xb7: {  	[dreg:$0x5] =	wrdreg $0x9  }
0xb8: {  	_ =	task.clear_ibuf [dreg:s8], $0x6FFFF;
	_ =	strace $0x90000046  }
0xb9: {  	s29 =	simm.s32 $0x9;
	_ =	strace $0x80000048  }
0xba: {  	_ =	swait.ge [sflag:s29], $0x1  }
0xbb: {  	[sflag:s29] =	ssyncadd.s32 $0xFFFFFFFF  }
0xbc: {  	_ =	strace $0x90000048  }
0xbd: {  	_ =	sfence  }
0xbe: {  	s30 =	sld [smem:$0x0];
	_ =	sdelay $0x2  }
0xbf: {  	s31 =	sshll.u32 s1, $0xD;
	s1 =	sshrl.u32 s1, $0x2  }
0xc0: {  	s3 =	sand.u32 $0x4000, s31;
	s1 =	sadd.s32 s1, s30  }
0xc1: {  	s0 =	sor.u32 s3, s0;
	s1 =	sshll.u32 s1, $0x11  }
0xc2: {  	s0 =	sor.u32 s1, s0  }
0xc3: {  	s0 =	sadd.s32 $0x8F2B, s0  }
0xc4: {  	[sflag:s0] =	ssyncadd.remote.s32 $0x1  }
0xc5: {  	_ =	sfence.sel $0xFFFF  }
0xc6: {  	[dreg:$0x0] =	wrdreg $0xFFFFFFFF;
	(pc) =	sbr.abs _section_cstart, $3  }
0xc7: {  	[dreg:$0x1] =	wrdreg $0xFFFFFFFF  }
0xc8: {  	_ =	task.clear_ibuf [dreg:s8], $0x2FFFF;
	_ =	strace $0x9FFFFFFF  }
0xc9: {  	(tm) =	ssettm $0x7FFFFFFF  }
tec
execute0_lowered:
.L_overlay_start_1:
0x0: {  	(tag) =	ssettag $0x1  }
0x1: {  	s3 =	rddreg [dreg:$0x0]  }
0x2: {  	s9 =	rddreg [dreg:$0x1]  }
0x3: {  	s10 =	rddreg [dreg:$0x2]  }
0x4: {  	s0 =	rddreg [dreg:$0x3]  }
0x5: {  	s4 =	srdreg.scid;
	s1 =	stileid.u32  }
0x6: {  	s2 =	simm.s32 $0x0;
	s4 =	sand.u32 $0x1, s4;
	s5 =	sshll.u32 s1, $0x1  }
0x7: {  	[smem:$0x7FF] =	sst s2;
	s7 =	sadd.s32 $0xA00, s3;
	s8 =	sadd.s32 $0xC200, s3  }
0x8: {  	s13 =	sor.u32 s4, s5;
	_ =	strace $0x80000047;
	s4 =	ssub.s32 $0x2, s4  }
0x9: {  	s5 =	smul.u32 $0x3C0, s13;
	s29 =	sshrl.u32 s4, $0x1;
	s30 =	sshll.u32 s13, $0x5  }
0xa: {  	s31 =	sshll.u32 s13, $0x8;
	s6 =	smul.u32 $0x280, s13;
	s12 =	sor.u32 $0x20, s13  }
0xb: {  	p0 =	sgt.u32 s13, $0x10;
	s13 =	simm.s32 $0x1E00;
	s14 =	smul.u32 $0x3C0, s12  }
0xc: {  	s11 =	ssub.s32 s4, s29;
	s4 =	sadd.s32 s8, s30;
	s16 =	smul.u32 $0x280, s12  }
.Ltmp0:
0xd: {  	s15 =	sshll.u32 s12, $0x5;
	s12 =	sshll.u32 s12, $0x8;
	(pc) =	sbr.rel .LBB2_1-.Ltmp0, $4  }
0xe: {  	s3 =	sadd.s32 s7, s5;
	s5 =	sadd.s32 s9, s31;
	s6 =	sadd.s32 s10, s6  }
0xf: {  	s8 =	sadd.s32 s8, s15;
	s9 =	sadd.s32 s9, s12;
	s11 =	smax.u32 s11, $0x1  }
0x10: {  	s12 =	simm.s32 $0x1;
	s15 =	simm.s32 $0x2700;
	s7 =	sadd.s32 s7, s14  }
0x11: {  	s10 =	sadd.s32 s10, s16;
	s14 =	simm.s32 $0x1F00;
	s16 =	simm.s32 $0x0  }
.LBB2_6:
0x12: {  	v7 =	vmul.f32 v18, v7  }
0x13: {  	v24 =	vmul.f32 $1.442695020e+00, v24;
	v23 =	vmul.f32 $1.442695020e+00, v23  }
0x14: {  	v26 =	vmul.f32 $1.442695020e+00, v26;
	[tilespmem:s19+$0xFFFFF600] =	vst v25;
	v1 =	vmul.f32 v18, v1  }
0x15: {  	v22 =	vsub.f32 $0.0e+00, v22;
	v3 =	vmul.f32 v18, v3;
	[tilespmem:s19+$0x0] =	vst v19;
	(erf) = vpow2.f32 v23  }
0x16: {  	v5 =	vmul.f32 v18, v5;
	[tilespmem:s19+$0xFFFFF800] =	vst v7;
	(erf) = vpow2.f32 v21  }
0x17: {  	[tilespmem:s19+$0xFFFFFA00] =	vst v3;
	v30 =	vmul.f32 $1.442695020e+00, v22;
	(erf) = vpow2.f32 v20  }
0x18: {  	v4 =	vmul.f32 v18, v4;
	[tilespmem:s19+$0xFFFFFB00] =	vst v5;
	(erf) = vpow2.f32 v26  }
0x19: {  	v31 =	vmul.f32 v18, v6;
	[tilespmem:s19+$0xFFFFF700] =	vst v1;
	(erf) = vpow2.f32 v30  }
0x1a: {  	v32 =	vmul.f32 v18, v8;
	v33 =	vpop (erf);
	[tilespmem:s19+$0xFFFFFC00] =	vst v4;
	(erf) = vpow2.f32 v24  }
0x1b: {  	v34 =	vmul.f32 v18, v9;
	v35 =	vpop (erf);
	[tilespmem:s19+$0xFFFFFD00] =	vst v31  }
0x1c: {  	v36 =	vmul.f32 v18, v12;
	[tilespmem:s19+$0xFFFFFE00] =	vst v32;
	v5 =	vadd.f32 $1.000000000e+00, v35  }
0x1d: {  	v37 =	vmul.f32 v18, v13;
	[tilespmem:s19+$0xFFFFFF00] =	vst v34;
	v3 =	vadd.f32 $1.000000000e+00, v33;
	v38 =	vpop (erf)  }
0x1e: {  	v39 =	vmul.f32 v18, v16;
	[tilespmem:s19+$0x200] =	vst v36;
	v40 =	vadd.f32 $1.000000000e+00, v38;
	(erf) = vrcp.f32 v5;
	v41 =	vpop (erf)  }
0x1f: {  	v42 =	vmul.f32 v18, v17;
	[tilespmem:s19+$0x300] =	vst v37;
	(erf) = vrcp.f32 v3;
	v4 =	vadd.f32 $1.000000000e+00, v41;
	v43 =	vpop (erf)  }
0x20: {  	v44 =	vmul.f32 v18, v14;
	[tilespmem:s19+$0x400] =	vst v39;
	(erf) = vrcp.f32 v40;
	v5 =	vadd.f32 $1.000000000e+00, v43;
	v45 =	vpop (erf)  }
0x21: {  	v46 =	vmul.f32 v18, v15;
	[tilespmem:s19+$0x800] =	vst v42;
	v47 =	vadd.f32 $1.000000000e+00, v45;
	v48 =	vpop (erf);
	(erf) = vrcp.f32 v4  }
0x22: {  	v49 =	vmul.f32 v18, v11;
	[tilespmem:s19+$0x500] =	vst v44;
	v50 =	vadd.f32 $1.000000000e+00, v48;
	(erf) = vrcp.f32 v5;
	v51 =	vpop (erf)  }
0x23: {  	v52 =	vmul.f32 v18, v10;
	[tilespmem:s19+$0x900] =	vst v46;
	v53 =	vadd.f32 $1.000000000e+00, v51;
	(erf) = vrcp.f32 v47;
	v54 =	vpop (erf)  }
0x24: {  	v2 =	vmul.f32 v18, v2;
	[tilespmem:s19+$0x600] =	vst v49;
	v3 =	vadd.f32 $1.000000000e+00, v54;
	(erf) = vrcp.f32 v50  }
0x25: {  	v0 =	vmul.f32 v18, v0;
	[tilespmem:s19+$0x700] =	vst v52;
	(erf) = vrcp.f32 v53  }
0x26: {  	[tilespmem:s19+$0x100] =	vst v2;
	(erf) = vrcp.f32 v3  }
0x27: {  	[tilespmem:s19+$0xFFFFF900] =	vst v0;
	v55 =	vpop (erf)  }
0x28: {  	v56 =	vpop (erf);
	[tilespmem:s20+$0x0] =	vst v55  }
0x29: {  	[tilespmem:s18+$0x100] =	vst v56;
	v57 =	vpop (erf)  }
0x2a: {  	[tilespmem:s18+$0xFFFFFE00] =	vst v57;
	v58 =	vpop (erf)  }
0x2b: {  	[tilespmem:s18+$0x200] =	vst v58;
	v59 =	vpop (erf)  }
0x2c: {  	[tilespmem:s18+$0xFFFFFD00] =	vst v59;
	v60 =	vpop (erf)  }
0x2d: {  	[tilespmem:s18+$0xFFFFFC00] =	vst v60;
	v61 =	vpop (erf)  }
0x2e: {  	[tilespmem:s18+$0xFFFFFF00] =	vst v61;
	v62 =	vpop (erf)  }
0x2f: {  	[tilespmem:s18+$0x0] =	vst v62;
	v63 =	vpop (erf)  }
0x30: {  	[tilespmem:s18+$0x300] =	vst v63  }
0x31: {  	[hbm4b:s8+s2] =	stream.linear.scatter [tilespmem:s13], [sflag:$0x1], $0x100, $0x38;
	[tilespmem:$0x3B00] =	vst v63  }
0x32: {  	_ =	swait.ge [sflag:s12], $0x100  }
0x33: {  	[sflag:s12] =	ssyncset.done $0x0  }
0x34: {  	[sflag:s12] =	ssyncadd.s32 $0xFFFFFF00  }
0x35: {  	[hbm4b:s9+s2] =	stream.linear.scatter [tilespmem:s14], [sflag:$0x1], $0x800, $0x38;
	[tilespmem:$0x3B00] =	vst v63  }
0x36: {  	_ =	swait.ge [sflag:s12], $0x800  }
0x37: {  	[sflag:s12] =	ssyncset.done $0x0  }
0x38: {  	[sflag:s12] =	ssyncadd.s32 $0xFFFFF800  }
0x39: {  	[hbm4b:s10+s2] =	stream.linear.scatter [tilespmem:s15], [sflag:$0x1], $0x1400, $0x38;
	[tilespmem:$0x3B00] =	vst v63  }
0x3a: {  	_ =	swait.ge [sflag:s12], $0x1400  }
0x3b: {  	[sflag:s12] =	ssyncset.done $0x0  }
0x3c: {  	[sflag:s12] =	ssyncadd.s32 $0xFFFFEC00  }
.LBB2_7:
0x3d: {  	s16 =	sadd.s32 $0x1, s16  }
0x3e: {  	p1 =	sne.s32 s16, s11  }
.Ltmp1:
0x3f: {  	_ = 	snop;
	(pc) =	sbr.rel @!p1 .LBB2_8-.Ltmp1, $1  }
0x40: {  	_ =	sdelay $0x3  }
.LBB2_1:
0x41: {  	[tilespmem:s2], [sflag:$0x1] =	stream.linear.gather [hbm4b:s3+s2], $0x1E00, $0x38;
	[tilespmem:$0x3B00] =	vst v63  }
0x42: {  	_ =	swait.ge [sflag:s12], $0x1E00  }
0x43: {  	[sflag:s12] =	ssyncset.done $0x0  }
0x44: {  	s17 =	simm.s32 $0xA00;
	[sflag:s12] =	ssyncadd.s32 $0xFFFFE200  }
0x45: {  	v0 =	vld [tilespmem:s17+$0x100]  }
0x46: {  	v1 =	vld [tilespmem:s17+$0x0]  }
0x47: {  	v2 =	vld [tilespmem:s17+$0x300]  }
0x48: {  	v3 =	vld [tilespmem:s17+$0x200];
	_ =	sdelay $0x1  }
0x49: {  	v0 =	vmul.f32 $1.442695020e+00, v0  }
0x4a: {  	v1 =	vmul.f32 $1.442695020e+00, v1  }
0x4b: {  	v2 =	vmul.f32 $1.442695020e+00, v2;
	(erf) = vpow2.f32 v0  }
0x4c: {  	v0 =	vmul.f32 $1.442695020e+00, v3;
	(erf) = vpow2.f32 v1;
	v1 =	vld [tilespmem:s17+$0x500]  }
0x4d: {  	v4 =	vld [tilespmem:s17+$0x400];
	(erf) = vpow2.f32 v2  }
0x4e: {  	(erf) = vpow2.f32 v0;
	v0 =	vld [tilespmem:s17+$0x600];
	_ =	sdelay $0x2  }
0x4f: {  	v1 =	vmul.f32 $1.442695020e+00, v1  }
0x50: {  	v3 =	vld [tilespmem:s17+$0x700];
	v2 =	vmul.f32 $1.442695020e+00, v4  }
0x51: {  	v0 =	vmul.f32 $1.442695020e+00, v0  }
0x52: {  	(erf) = vpow2.f32 v2  }
0x53: {  	v2 =	vld [tilespmem:s17+$0x800];
	(erf) = vpow2.f32 v1;
	v1 =	vpop (erf)  }
0x54: {  	v19 =	vpop (erf)  }
0x55: {  	v4 =	vld [tilespmem:s17+$0x900];
	v3 =	vmul.f32 $1.442695020e+00, v3;
	(erf) = vpow2.f32 v0;
	v5 =	vadd.f32 v1, v19;
	v0 =	vpop (erf)  }
0x56: {  	v7 =	vpop (erf)  }
0x57: {  	s18 =	sand.u32 $0xF0, s2;
	(erf) = vpow2.f32 v3;
	v3 =	vadd.f32 v7, v5  }
0x58: {  	v6 =	vld [tilespmem:s18+$0x1400];
	v2 =	vmul.f32 $1.442695020e+00, v2;
	_ =	sdelay $0x1  }
0x59: {  	v8 =	vld [tilespmem:s18+$0x1500];
	v4 =	vmul.f32 $1.442695020e+00, v4;
	(erf) = vpow2.f32 v2;
	v2 =	vadd.f32 v0, v3  }
0x5a: {  	v3 =	vpop (erf)  }
0x5b: {  	v9 =	vld [tilespmem:s18+$0x1600];
	(erf) = vpow2.f32 v4;
	v2 =	vadd.f32 v3, v2  }
0x5c: {  	v6 =	vmul.f32 $1.442695020e+00, v6;
	v5 =	vpop (erf)  }
0x5d: {  	v2 =	vadd.f32 v5, v2  }
0x5e: {  	v10 =	vld [tilespmem:s18+$0x1700];
	v8 =	vmul.f32 $1.442695020e+00, v8;
	(erf) = vpow2.f32 v6;
	v4 =	vpop (erf)  }
0x5f: {  	v2 =	vadd.f32 v4, v2  }
0x60: {  	v11 =	vld [tilespmem:s18+$0x1800];
	v9 =	vmul.f32 $1.442695020e+00, v9;
	(erf) = vpow2.f32 v8;
	v6 =	vpop (erf)  }
0x61: {  	v12 =	vld [tilespmem:s18+$0x1900];
	v2 =	vadd.f32 v6, v2  }
0x62: {  	v8 =	vpop (erf)  }
0x63: {  	v13 =	vld [tilespmem:s18+$0x1A00];
	v10 =	vmul.f32 $1.442695020e+00, v10;
	(erf) = vpow2.f32 v9;
	v2 =	vadd.f32 v8, v2  }
0x64: {  	v9 =	vpop (erf)  }
0x65: {  	v11 =	vmul.f32 $1.442695020e+00, v11;
	(erf) = vpow2.f32 v10;
	v2 =	vadd.f32 v9, v2  }
0x66: {  	v12 =	vmul.f32 $1.442695020e+00, v12;
	v10 =	vld [tilespmem:s18+$0x1B00]  }
0x67: {  	(erf) = vpow2.f32 v11;
	v26 =	vpop (erf)  }
0x68: {  	v13 =	vmul.f32 $1.442695020e+00, v13;
	(erf) = vpow2.f32 v12;
	v12 =	vadd.f32 v26, v2  }
0x69: {  	v14 =	vld [tilespmem:s18+$0x1D00];
	v2 =	vpop (erf)  }
0x6a: {  	v11 =	vld [tilespmem:s18+$0x1C00];
	(erf) = vpow2.f32 v13;
	v13 =	vadd.f32 v2, v12  }
0x6b: {  	v10 =	vmul.f32 $1.442695020e+00, v10  }
0x6c: {  	v12 =	vpop (erf)  }
0x6d: {  	(erf) = vpow2.f32 v10;
	v10 =	vadd.f32 v12, v13  }
0x6e: {  	v14 =	vmul.f32 $1.442695020e+00, v14;
	v13 =	vpop (erf)  }
0x6f: {  	v11 =	vmul.f32 $1.442695020e+00, v11;
	v10 =	vadd.f32 v13, v10  }
0x70: {  	v16 =	vpop (erf)  }
0x71: {  	(erf) = vpow2.f32 v11;
	v10 =	vadd.f32 v16, v10  }
0x72: {  	(erf) = vpow2.f32 v14;
	v14 =	vpop (erf)  }
0x73: {  	v10 =	vadd.f32 v14, v10;
	_ =	sdelay $0x1  }
0x74: {  	v11 =	vpop (erf)  }
0x75: {  	v15 =	vadd.f32 v11, v10  }
0x76: {  	v10 =	vpop (erf)  }
0x77: {  	v15 =	vadd.f32 v10, v15;
	_ =	sdelay $0x1  }
0x78: {  	v17 =	vpop (erf)  }
0x79: {  	v20 =	vld [tilespmem:s17+$0xFFFFFB00];
	v18 =	vadd.f32 v17, v15  }
0x7a: {  	v21 =	vld [tilespmem:s17+$0xFFFFFF00];
	v15 =	vpop (erf)  }
0x7b: {  	v22 =	vld [tilespmem:s17+$0xFFFFFE00];
	v18 =	vadd.f32 v15, v18  }
0x7c: {  	v23 =	vld [tilespmem:s17+$0xFFFFF800]  }
0x7d: {  	(erf) = vrcp.f32 v18;
	v18 =	vld [tilespmem:s17+$0xFFFFF600];
	_ =	sdelay $0x2  }
0x7e: {  	v20 =	vsub.f32 $0.0e+00, v20  }
0x7f: {  	v24 =	vld [tilespmem:s17+$0xFFFFF700];
	v21 =	vsub.f32 v21, v22  }
0x80: {  	v25 =	vld [tilespmem:s17+$0xFFFFFD00];
	v22 =	vsub.f32 $0.0e+00, v23;
	v20 =	vmul.f32 $1.442695020e+00, v20;
	v18 =	vsub.f32 $0.0e+00, v18  }
0x81: {  	v27 =	vld [tilespmem:s17+$0xFFFFFC00];
	v21 =	vmul.f32 $1.442695020e+00, v21  }
0x82: {  	v28 =	vld [tilespmem:s17+$0xFFFFF900];
	v22 =	vmul.f32 $1.442695020e+00, v22;
	(erf) = vpow2.f32 v20  }
0x83: {  	(erf) = vpow2.f32 v21  }
0x84: {  	v23 =	vsub.f32 $0.0e+00, v24;
	v20 =	vmul.f32 $1.442695020e+00, v18;
	v18 =	vpop (erf);
	(erf) = vpow2.f32 v22;
	v22 =	vld [tilespmem:s17+$0xFFFFFA00]  }
0x85: {  	s21 =	simm.s32 $0x2300  }
0x86: {  	s19 =	simm.s32 $0x3100;
	s22 =	simm.s32 $0x10;
	s23 =	simm.s32 $0x3110;
	v24 =	vsub.f32 $0.0e+00, v25;
	v21 =	vmul.f32 $1.442695020e+00, v23;
	v23 =	vsub.f32 $0.0e+00, v27  }
0x87: {  	s24 =	simm.s32 $0x1E00;
	s20 =	simm.s32 $0x1E00;
	s18 =	simm.s32 $0x2300;
	v25 =	vmul.f32 v18, v19;
	v19 =	vmul.f32 v18, v26;
	v26 =	vsub.f32 $0.0e+00, v28  }
.LBB2_2:
0x88: {  	v27 =	vmul.f32 v18, v7;
	v24 =	vmul.f32 $1.442695020e+00, v24;
	s24 =	sadd.s32 $0x10, s24;
	s21 =	sadd.s32 $0x10, s21;
	s17 =	sadd.s32 $0x10, s17  }
0x89: {  	p1 =	sne.s32 s22, $0xF0;
	v23 =	vmul.f32 $1.442695020e+00, v23;
	s25 =	smov.u32 s22;
	s22 =	sadd.s32 $0x10, s22;
	[tilespmem:s19+$0xFFFFF600] =	vst v25;
	v25 =	vmul.f32 $1.442695020e+00, v26;
	v22 =	vsub.f32 $0.0e+00, v22  }
0x8a: {  	v1 =	vmul.f32 v18, v1;
	v3 =	vmul.f32 v18, v3;
	[tilespmem:s19+$0xFFFFF800] =	vst v27  }
0x8b: {  	v26 =	vmul.f32 v18, v5;
	v7 =	vpop (erf);
	(erf) = vpow2.f32 v23  }
0x8c: {  	[tilespmem:s19+$0xFFFFFA00] =	vst v3;
	v3 =	vmul.f32 $1.442695020e+00, v22;
	v7 =	vadd.f32 $1.000000000e+00, v7;
	(erf) = vpow2.f32 v21  }
0x8d: {  	v4 =	vmul.f32 v18, v4;
	[tilespmem:s19+$0xFFFFFB00] =	vst v26;
	v5 =	vpop (erf);
	(erf) = vpow2.f32 v20  }
0x8e: {  	[tilespmem:s19+$0xFFFFF700] =	vst v1;
	v1 =	vmul.f32 v18, v6;
	(erf) = vpow2.f32 v25  }
0x8f: {  	[tilespmem:s19+$0xFFFFFC00] =	vst v4;
	v4 =	vmul.f32 v18, v8;
	v6 =	vpop (erf);
	(erf) = vpow2.f32 v3  }
0x90: {  	[tilespmem:s19+$0xFFFFFD00] =	vst v1;
	v1 =	vmul.f32 v18, v9;
	(erf) = vpow2.f32 v24  }
0x91: {  	v2 =	vmul.f32 v18, v2;
	v3 =	vmul.f32 v18, v12;
	[tilespmem:s19+$0xFFFFFE00] =	vst v4;
	v4 =	vadd.f32 $1.000000000e+00, v5  }
0x92: {  	v5 =	vmul.f32 v18, v16;
	[tilespmem:s19+$0xFFFFFF00] =	vst v1;
	v1 =	vmul.f32 v18, v13  }
0x93: {  	[tilespmem:s19+$0x200] =	vst v3;
	v3 =	vmul.f32 v18, v14;
	(erf) = vrcp.f32 v4  }
0x94: {  	v4 =	vadd.f32 $1.000000000e+00, v6;
	[tilespmem:s19+$0x300] =	vst v1;
	v1 =	vmul.f32 v18, v11;
	(erf) = vrcp.f32 v7;
	v6 =	vpop (erf)  }
0x95: {  	v11 =	vmul.f32 v18, v17;
	[tilespmem:s19+$0x400] =	vst v5;
	v5 =	vmul.f32 v18, v10;
	v12 =	vadd.f32 $1.000000000e+00, v6;
	v8 =	vpop (erf)  }
0x96: {  	v9 =	vmul.f32 v18, v15;
	[tilespmem:s19+$0x0] =	vst v19;
	v8 =	vadd.f32 $1.000000000e+00, v8;
	v10 =	vpop (erf);
	(erf) = vrcp.f32 v4  }
0x97: {  	v0 =	vmul.f32 v18, v0;
	[tilespmem:s19+$0x800] =	vst v11;
	v10 =	vadd.f32 $1.000000000e+00, v10;
	v7 =	vpop (erf);
	(erf) = vrcp.f32 v12  }
0x98: {  	[tilespmem:s19+$0x500] =	vst v3;
	v3 =	vadd.f32 $1.000000000e+00, v7;
	(erf) = vrcp.f32 v8;
	v6 =	vpop (erf)  }
0x99: {  	[tilespmem:s19+$0x900] =	vst v9;
	v6 =	vadd.f32 $1.000000000e+00, v6;
	(erf) = vrcp.f32 v10;
	v4 =	vpop (erf)  }
0x9a: {  	[tilespmem:s19+$0x600] =	vst v1;
	v1 =	vadd.f32 $1.000000000e+00, v4;
	(erf) = vrcp.f32 v3  }
0x9b: {  	[tilespmem:s19+$0x700] =	vst v5;
	(erf) = vrcp.f32 v6  }
0x9c: {  	[tilespmem:s19+$0x100] =	vst v2;
	v2 =	vpop (erf);
	(erf) = vrcp.f32 v1  }
0x9d: {  	[tilespmem:s19+$0xFFFFF900] =	vst v0;
	v0 =	vpop (erf);
	s19 =	smov.u32 s23  }
0x9e: {  	[tilespmem:s20+$0x0] =	vst v2;
	s20 =	smov.u32 s24  }
0x9f: {  	[tilespmem:s18+$0x100] =	vst v0;
	v0 =	vpop (erf)  }
0xa0: {  	[tilespmem:s18+$0xFFFFFE00] =	vst v0;
	v0 =	vpop (erf)  }
0xa1: {  	[tilespmem:s18+$0x200] =	vst v0;
	v0 =	vpop (erf)  }
0xa2: {  	[tilespmem:s18+$0xFFFFFD00] =	vst v0;
	v0 =	vpop (erf)  }
0xa3: {  	[tilespmem:s18+$0xFFFFFC00] =	vst v0;
	v0 =	vpop (erf)  }
0xa4: {  	[tilespmem:s18+$0xFFFFFF00] =	vst v0;
	v0 =	vpop (erf)  }
0xa5: {  	[tilespmem:s18+$0x0] =	vst v0;
	v0 =	vpop (erf)  }
0xa6: {  	[tilespmem:s18+$0x300] =	vst v0;
	s18 =	smov.u32 s21  }
0xa7: {  	v0 =	vld [tilespmem:s17+$0x200]  }
0xa8: {  	v1 =	vld [tilespmem:s17+$0x100]  }
0xa9: {  	v2 =	vld [tilespmem:s17+$0x0]  }
0xaa: {  	v3 =	vld [tilespmem:s17+$0x300];
	_ =	sdelay $0x1  }
0xab: {  	v4 =	vld [tilespmem:s17+$0x400]  }
0xac: {  	v0 =	vmul.f32 $1.442695020e+00, v0;
	v1 =	vmul.f32 $1.442695020e+00, v1  }
0xad: {  	v5 =	vld [tilespmem:s17+$0x500];
	v2 =	vmul.f32 $1.442695020e+00, v2  }
0xae: {  	v3 =	vmul.f32 $1.442695020e+00, v3;
	(erf) = vpow2.f32 v1  }
0xaf: {  	v1 =	vld [tilespmem:s17+$0x600];
	(erf) = vpow2.f32 v2  }
0xb0: {  	v2 =	vmul.f32 $1.442695020e+00, v4;
	(erf) = vpow2.f32 v3  }
0xb1: {  	v3 =	vld [tilespmem:s17+$0x700];
	(erf) = vpow2.f32 v0  }
0xb2: {  	v0 =	vmul.f32 $1.442695020e+00, v5;
	(erf) = vpow2.f32 v2  }
0xb3: {  	v2 =	vld [tilespmem:s17+$0x800]  }
0xb4: {  	v6 =	vmul.f32 $1.442695020e+00, v1;
	(erf) = vpow2.f32 v0  }
0xb5: {  	v4 =	vld [tilespmem:s17+$0x900]  }
0xb6: {  	s25 =	sand.u32 $0xF0, s25;
	v7 =	vmul.f32 $1.442695020e+00, v3;
	(erf) = vpow2.f32 v6  }
0xb7: {  	v5 =	vld [tilespmem:s25+$0x1400];
	v1 =	vpop (erf)  }
0xb8: {  	v2 =	vmul.f32 $1.442695020e+00, v2;
	v19 =	vpop (erf);
	(erf) = vpow2.f32 v7  }
0xb9: {  	v6 =	vld [tilespmem:s25+$0x1500];
	v9 =	vadd.f32 v1, v19;
	v0 =	vpop (erf)  }
0xba: {  	v4 =	vmul.f32 $1.442695020e+00, v4;
	v7 =	vpop (erf);
	(erf) = vpow2.f32 v2  }
0xbb: {  	v2 =	vld [tilespmem:s25+$0x1600];
	v8 =	vadd.f32 v7, v9;
	v3 =	vpop (erf)  }
0xbc: {  	v9 =	vmul.f32 $1.442695020e+00, v5;
	(erf) = vpow2.f32 v4  }
0xbd: {  	v10 =	vld [tilespmem:s25+$0x1700];
	v11 =	vadd.f32 v0, v8;
	v5 =	vpop (erf)  }
0xbe: {  	v12 =	vmul.f32 $1.442695020e+00, v6;
	(erf) = vpow2.f32 v9  }
0xbf: {  	v9 =	vld [tilespmem:s25+$0x1800];
	v8 =	vadd.f32 v3, v11;
	v4 =	vpop (erf)  }
0xc0: {  	v2 =	vmul.f32 $1.442695020e+00, v2;
	(erf) = vpow2.f32 v12  }
0xc1: {  	v11 =	vld [tilespmem:s25+$0x1900];
	v13 =	vadd.f32 v5, v8;
	v6 =	vpop (erf)  }
0xc2: {  	v10 =	vmul.f32 $1.442695020e+00, v10;
	(erf) = vpow2.f32 v2  }
0xc3: {  	v2 =	vld [tilespmem:s25+$0x1A00];
	v12 =	vadd.f32 v4, v13;
	v8 =	vpop (erf)  }
0xc4: {  	v13 =	vmul.f32 $1.442695020e+00, v9;
	(erf) = vpow2.f32 v10  }
0xc5: {  	v10 =	vld [tilespmem:s25+$0x1B00];
	v12 =	vadd.f32 v6, v12;
	v9 =	vpop (erf)  }
0xc6: {  	v11 =	vmul.f32 $1.442695020e+00, v11;
	(erf) = vpow2.f32 v13  }
0xc7: {  	v13 =	vld [tilespmem:s25+$0x1C00];
	v12 =	vadd.f32 v8, v12;
	v26 =	vpop (erf)  }
0xc8: {  	v14 =	vmul.f32 $1.442695020e+00, v2;
	(erf) = vpow2.f32 v11  }
0xc9: {  	v11 =	vld [tilespmem:s25+$0x1D00];
	v15 =	vadd.f32 v9, v12;
	v2 =	vpop (erf)  }
0xca: {  	v10 =	vmul.f32 $1.442695020e+00, v10;
	(erf) = vpow2.f32 v14  }
0xcb: {  	v14 =	vadd.f32 v26, v15;
	v12 =	vpop (erf)  }
0xcc: {  	v15 =	vmul.f32 $1.442695020e+00, v13;
	(erf) = vpow2.f32 v10  }
0xcd: {  	v10 =	vadd.f32 v2, v14;
	v13 =	vpop (erf)  }
0xce: {  	v11 =	vmul.f32 $1.442695020e+00, v11;
	(erf) = vpow2.f32 v15  }
0xcf: {  	v10 =	vadd.f32 v12, v10;
	v16 =	vpop (erf)  }
0xd0: {  	(erf) = vpow2.f32 v11  }
0xd1: {  	v10 =	vadd.f32 v13, v10;
	v14 =	vpop (erf);
	_ =	sdelay $0x1  }
0xd2: {  	v17 =	vadd.f32 v16, v10;
	v11 =	vpop (erf);
	_ =	sdelay $0x1  }
0xd3: {  	v15 =	vadd.f32 v14, v17;
	v10 =	vpop (erf);
	_ =	sdelay $0x1  }
0xd4: {  	v20 =	vadd.f32 v11, v15;
	v17 =	vpop (erf);
	_ =	sdelay $0x1  }
0xd5: {  	v18 =	vadd.f32 v10, v20;
	v15 =	vpop (erf);
	_ =	sdelay $0x1  }
0xd6: {  	v20 =	vld [tilespmem:s17+$0xFFFFFB00];
	v18 =	vadd.f32 v17, v18  }
0xd7: {  	v21 =	vld [tilespmem:s17+$0xFFFFFF00]  }
0xd8: {  	v22 =	vld [tilespmem:s17+$0xFFFFFE00];
	v18 =	vadd.f32 v15, v18  }
0xd9: {  	v23 =	vld [tilespmem:s17+$0xFFFFF800]  }
0xda: {  	v24 =	vld [tilespmem:s17+$0xFFFFF600];
	(erf) = vrcp.f32 v18  }
0xdb: {  	v18 =	vld [tilespmem:s17+$0xFFFFF700];
	v20 =	vsub.f32 $0.0e+00, v20  }
0xdc: {  	v25 =	vld [tilespmem:s17+$0xFFFFFD00]  }
0xdd: {  	v27 =	vld [tilespmem:s17+$0xFFFFFC00];
	v21 =	vsub.f32 v21, v22;
	v20 =	vmul.f32 $1.442695020e+00, v20  }
0xde: {  	v22 =	vsub.f32 $0.0e+00, v23  }
0xdf: {  	v28 =	vld [tilespmem:s17+$0xFFFFF900];
	v21 =	vmul.f32 $1.442695020e+00, v21;
	v23 =	vsub.f32 $0.0e+00, v24;
	(erf) = vpow2.f32 v20  }
.Ltmp2:
0xe0: {  	v30 =	vsub.f32 $0.0e+00, v18;
	v29 =	vmul.f32 $1.442695020e+00, v22;
	(pc) =	sbr.rel @p1 .LBB2_2-.Ltmp2, $4  }
0xe1: {  	v22 =	vld [tilespmem:s17+$0xFFFFFA00];
	v20 =	vmul.f32 $1.442695020e+00, v23;
	v24 =	vsub.f32 $0.0e+00, v25;
	(erf) = vpow2.f32 v21  }
0xe2: {  	v21 =	vmul.f32 $1.442695020e+00, v30;
	v23 =	vsub.f32 $0.0e+00, v27  }
0xe3: {  	v18 =	vpop (erf);
	(erf) = vpow2.f32 v29  }
0xe4: {  	s23 =	sadd.s32 $0x10, s23;
	v25 =	vmul.f32 v18, v19;
	v19 =	vmul.f32 v18, v26;
	v26 =	vsub.f32 $0.0e+00, v28  }
0xe5: {  	v7 =	vmul.f32 v18, v7  }
0xe6: {  	v24 =	vmul.f32 $1.442695020e+00, v24;
	v23 =	vmul.f32 $1.442695020e+00, v23  }
0xe7: {  	v1 =	vmul.f32 v18, v1;
	v3 =	vmul.f32 v18, v3;
	[tilespmem:s19+$0xFFFFF600] =	vst v25  }
0xe8: {  	v5 =	vmul.f32 v18, v5;
	v22 =	vsub.f32 $0.0e+00, v22;
	[tilespmem:s19+$0x0] =	vst v19;
	(erf) = vpow2.f32 v23  }
0xe9: {  	v26 =	vmul.f32 $1.442695020e+00, v26;
	[tilespmem:s19+$0xFFFFF800] =	vst v7;
	(erf) = vpow2.f32 v21  }
0xea: {  	[tilespmem:s19+$0xFFFFFA00] =	vst v3;
	v30 =	vmul.f32 $1.442695020e+00, v22;
	(erf) = vpow2.f32 v20  }
0xeb: {  	v4 =	vmul.f32 v18, v4;
	[tilespmem:s19+$0xFFFFFB00] =	vst v5;
	(erf) = vpow2.f32 v26  }
0xec: {  	v31 =	vmul.f32 v18, v6;
	[tilespmem:s19+$0xFFFFF700] =	vst v1;
	(erf) = vpow2.f32 v30  }
0xed: {  	v32 =	vmul.f32 v18, v8;
	[tilespmem:s19+$0xFFFFFC00] =	vst v4;
	v33 =	vpop (erf);
	(erf) = vpow2.f32 v24  }
0xee: {  	v34 =	vmul.f32 v18, v9;
	[tilespmem:s19+$0xFFFFFD00] =	vst v31;
	v35 =	vpop (erf)  }
0xef: {  	v36 =	vmul.f32 v18, v12;
	[tilespmem:s19+$0xFFFFFE00] =	vst v32;
	v5 =	vadd.f32 $1.000000000e+00, v35  }
0xf0: {  	v37 =	vmul.f32 v18, v13;
	[tilespmem:s19+$0xFFFFFF00] =	vst v34;
	v3 =	vadd.f32 $1.000000000e+00, v33;
	v38 =	vpop (erf)  }
0xf1: {  	v39 =	vmul.f32 v18, v16;
	[tilespmem:s19+$0x200] =	vst v36;
	(erf) = vrcp.f32 v5;
	v40 =	vadd.f32 $1.000000000e+00, v38;
	v41 =	vpop (erf)  }
0xf2: {  	v42 =	vmul.f32 v18, v17;
	[tilespmem:s19+$0x300] =	vst v37;
	(erf) = vrcp.f32 v3;
	v4 =	vadd.f32 $1.000000000e+00, v41;
	v43 =	vpop (erf)  }
0xf3: {  	v44 =	vmul.f32 v18, v14;
	[tilespmem:s19+$0x400] =	vst v39;
	(erf) = vrcp.f32 v40;
	v5 =	vadd.f32 $1.000000000e+00, v43;
	v45 =	vpop (erf)  }
0xf4: {  	v46 =	vmul.f32 v18, v15;
	[tilespmem:s19+$0x800] =	vst v42;
	v47 =	vadd.f32 $1.000000000e+00, v45;
	v48 =	vpop (erf);
	(erf) = vrcp.f32 v4  }
0xf5: {  	v49 =	vmul.f32 v18, v11;
	[tilespmem:s19+$0x500] =	vst v44;
	v50 =	vadd.f32 $1.000000000e+00, v48;
	(erf) = vrcp.f32 v5;
	v51 =	vpop (erf)  }
0xf6: {  	v52 =	vmul.f32 v18, v10;
	[tilespmem:s19+$0x900] =	vst v46;
	v53 =	vadd.f32 $1.000000000e+00, v51;
	(erf) = vrcp.f32 v47;
	v54 =	vpop (erf)  }
0xf7: {  	v2 =	vmul.f32 v18, v2;
	[tilespmem:s19+$0x600] =	vst v49;
	v3 =	vadd.f32 $1.000000000e+00, v54;
	(erf) = vrcp.f32 v50  }
0xf8: {  	v0 =	vmul.f32 v18, v0;
	[tilespmem:s19+$0x700] =	vst v52;
	(erf) = vrcp.f32 v53  }
0xf9: {  	[tilespmem:s19+$0x100] =	vst v2;
	(erf) = vrcp.f32 v3  }
0xfa: {  	[tilespmem:s19+$0xFFFFF900] =	vst v0;
	v55 =	vpop (erf)  }
0xfb: {  	v56 =	vpop (erf);
	[tilespmem:s20+$0x0] =	vst v55  }
0xfc: {  	[tilespmem:s18+$0x100] =	vst v56;
	v57 =	vpop (erf)  }
0xfd: {  	[tilespmem:s18+$0xFFFFFE00] =	vst v57;
	v58 =	vpop (erf)  }
0xfe: {  	[tilespmem:s18+$0x200] =	vst v58;
	v59 =	vpop (erf)  }
0xff: {  	[tilespmem:s18+$0xFFFFFD00] =	vst v59;
	v60 =	vpop (erf)  }
0x100: {  	[tilespmem:s18+$0xFFFFFC00] =	vst v60;
	v61 =	vpop (erf)  }
0x101: {  	[tilespmem:s18+$0xFFFFFF00] =	vst v61;
	v62 =	vpop (erf)  }
0x102: {  	[tilespmem:s18+$0x0] =	vst v62;
	v63 =	vpop (erf)  }
0x103: {  	[tilespmem:s18+$0x300] =	vst v63  }
0x104: {  	[hbm4b:s4+s2] =	stream.linear.scatter [tilespmem:s13], [sflag:$0x1], $0x100, $0x38;
	[tilespmem:$0x3B00] =	vst v63  }
0x105: {  	_ =	swait.ge [sflag:s12], $0x100  }
0x106: {  	[sflag:s12] =	ssyncset.done $0x0  }
0x107: {  	[sflag:s12] =	ssyncadd.s32 $0xFFFFFF00  }
0x108: {  	[hbm4b:s5+s2] =	stream.linear.scatter [tilespmem:s14], [sflag:$0x1], $0x800, $0x38;
	[tilespmem:$0x3B00] =	vst v63  }
0x109: {  	_ =	swait.ge [sflag:s12], $0x800  }
0x10a: {  	[sflag:s12] =	ssyncset.done $0x0  }
.Ltmp3:
0x10b: {  	[sflag:s12] =	ssyncadd.s32 $0xFFFFF800;
	(pc) =	sbr.rel @p0 .LBB2_7-.Ltmp3, $4  }
0x10c: {  	[hbm4b:s6+s2] =	stream.linear.scatter [tilespmem:s15], [sflag:$0x1], $0x1400, $0x38;
	[tilespmem:$0x3B00] =	vst v63  }
0x10d: {  	_ =	swait.ge [sflag:s12], $0x1400  }
0x10e: {  	[sflag:s12] =	ssyncset.done $0x0  }
0x10f: {  	[sflag:s12] =	ssyncadd.s32 $0xFFFFEC00  }
0x110: {  	s18 =	simm.s32 $0x0  }
0x111: {  	[tilespmem:s18], [sflag:$0x1] =	stream.linear.gather [hbm4b:s7+s18], $0x1E00, $0x38;
	[tilespmem:$0x3B00] =	vst v63  }
0x112: {  	_ =	swait.ge [sflag:s12], $0x1E00  }
0x113: {  	[sflag:s12] =	ssyncset.done $0x0  }
0x114: {  	s17 =	simm.s32 $0xA00;
	[sflag:s12] =	ssyncadd.s32 $0xFFFFE200  }
0x115: {  	v0 =	vld [tilespmem:s17+$0x100]  }
0x116: {  	v1 =	vld [tilespmem:s17+$0x0]  }
0x117: {  	v2 =	vld [tilespmem:s17+$0x300]  }
0x118: {  	v3 =	vld [tilespmem:s17+$0x200];
	_ =	sdelay $0x1  }
0x119: {  	v0 =	vmul.f32 $1.442695020e+00, v0  }
0x11a: {  	v1 =	vmul.f32 $1.442695020e+00, v1  }
0x11b: {  	v2 =	vmul.f32 $1.442695020e+00, v2;
	(erf) = vpow2.f32 v0  }
0x11c: {  	v0 =	vmul.f32 $1.442695020e+00, v3;
	(erf) = vpow2.f32 v1;
	v1 =	vld [tilespmem:s17+$0x500]  }
0x11d: {  	v4 =	vld [tilespmem:s17+$0x400];
	(erf) = vpow2.f32 v2  }
0x11e: {  	(erf) = vpow2.f32 v0;
	v0 =	vld [tilespmem:s17+$0x600];
	_ =	sdelay $0x2  }
0x11f: {  	v1 =	vmul.f32 $1.442695020e+00, v1  }
0x120: {  	v3 =	vld [tilespmem:s17+$0x700];
	v2 =	vmul.f32 $1.442695020e+00, v4  }
0x121: {  	v0 =	vmul.f32 $1.442695020e+00, v0  }
0x122: {  	(erf) = vpow2.f32 v2  }
0x123: {  	v2 =	vld [tilespmem:s17+$0x800];
	(erf) = vpow2.f32 v1;
	v1 =	vpop (erf)  }
0x124: {  	v19 =	vpop (erf)  }
0x125: {  	v4 =	vld [tilespmem:s17+$0x900];
	v3 =	vmul.f32 $1.442695020e+00, v3;
	(erf) = vpow2.f32 v0;
	v5 =	vadd.f32 v1, v19;
	v0 =	vpop (erf)  }
0x126: {  	v7 =	vpop (erf)  }
0x127: {  	s18 =	sand.u32 $0xF0, s18;
	(erf) = vpow2.f32 v3;
	v3 =	vadd.f32 v7, v5  }
0x128: {  	v6 =	vld [tilespmem:s18+$0x1400];
	v2 =	vmul.f32 $1.442695020e+00, v2;
	_ =	sdelay $0x1  }
0x129: {  	v8 =	vld [tilespmem:s18+$0x1500];
	v4 =	vmul.f32 $1.442695020e+00, v4;
	(erf) = vpow2.f32 v2;
	v2 =	vadd.f32 v0, v3  }
0x12a: {  	v3 =	vpop (erf)  }
0x12b: {  	v9 =	vld [tilespmem:s18+$0x1600];
	(erf) = vpow2.f32 v4;
	v2 =	vadd.f32 v3, v2  }
0x12c: {  	v6 =	vmul.f32 $1.442695020e+00, v6;
	v5 =	vpop (erf)  }
0x12d: {  	v2 =	vadd.f32 v5, v2  }
0x12e: {  	v10 =	vld [tilespmem:s18+$0x1700];
	v8 =	vmul.f32 $1.442695020e+00, v8;
	(erf) = vpow2.f32 v6;
	v4 =	vpop (erf)  }
0x12f: {  	v2 =	vadd.f32 v4, v2  }
0x130: {  	v11 =	vld [tilespmem:s18+$0x1800];
	v9 =	vmul.f32 $1.442695020e+00, v9;
	(erf) = vpow2.f32 v8;
	v6 =	vpop (erf)  }
0x131: {  	v12 =	vld [tilespmem:s18+$0x1900];
	v2 =	vadd.f32 v6, v2  }
0x132: {  	v8 =	vpop (erf)  }
0x133: {  	v13 =	vld [tilespmem:s18+$0x1A00];
	v10 =	vmul.f32 $1.442695020e+00, v10;
	(erf) = vpow2.f32 v9;
	v2 =	vadd.f32 v8, v2  }
0x134: {  	v9 =	vpop (erf)  }
0x135: {  	v11 =	vmul.f32 $1.442695020e+00, v11;
	(erf) = vpow2.f32 v10;
	v2 =	vadd.f32 v9, v2  }
0x136: {  	v12 =	vmul.f32 $1.442695020e+00, v12;
	v10 =	vld [tilespmem:s18+$0x1B00]  }
0x137: {  	(erf) = vpow2.f32 v11;
	v26 =	vpop (erf)  }
0x138: {  	v13 =	vmul.f32 $1.442695020e+00, v13;
	(erf) = vpow2.f32 v12;
	v12 =	vadd.f32 v26, v2  }
0x139: {  	v14 =	vld [tilespmem:s18+$0x1D00];
	v2 =	vpop (erf)  }
0x13a: {  	v11 =	vld [tilespmem:s18+$0x1C00];
	(erf) = vpow2.f32 v13;
	v13 =	vadd.f32 v2, v12  }
0x13b: {  	v10 =	vmul.f32 $1.442695020e+00, v10  }
0x13c: {  	v12 =	vpop (erf)  }
0x13d: {  	(erf) = vpow2.f32 v10;
	v10 =	vadd.f32 v12, v13  }
0x13e: {  	v14 =	vmul.f32 $1.442695020e+00, v14;
	v13 =	vpop (erf)  }
0x13f: {  	v11 =	vmul.f32 $1.442695020e+00, v11;
	v10 =	vadd.f32 v13, v10  }
0x140: {  	v16 =	vpop (erf)  }
0x141: {  	(erf) = vpow2.f32 v11;
	v10 =	vadd.f32 v16, v10  }
0x142: {  	(erf) = vpow2.f32 v14;
	v14 =	vpop (erf)  }
0x143: {  	v10 =	vadd.f32 v14, v10;
	_ =	sdelay $0x1  }
0x144: {  	v11 =	vpop (erf)  }
0x145: {  	v15 =	vadd.f32 v11, v10  }
0x146: {  	v10 =	vpop (erf)  }
0x147: {  	v15 =	vadd.f32 v10, v15;
	_ =	sdelay $0x1  }
0x148: {  	v17 =	vpop (erf)  }
0x149: {  	v20 =	vld [tilespmem:s17+$0xFFFFFB00];
	v18 =	vadd.f32 v17, v15  }
0x14a: {  	v21 =	vld [tilespmem:s17+$0xFFFFFF00];
	v15 =	vpop (erf)  }
0x14b: {  	v22 =	vld [tilespmem:s17+$0xFFFFFE00];
	v18 =	vadd.f32 v15, v18  }
0x14c: {  	v23 =	vld [tilespmem:s17+$0xFFFFF800]  }
0x14d: {  	(erf) = vrcp.f32 v18;
	v18 =	vld [tilespmem:s17+$0xFFFFF600];
	_ =	sdelay $0x2  }
0x14e: {  	v20 =	vsub.f32 $0.0e+00, v20  }
0x14f: {  	v24 =	vld [tilespmem:s17+$0xFFFFF700];
	v21 =	vsub.f32 v21, v22  }
0x150: {  	v25 =	vld [tilespmem:s17+$0xFFFFFD00];
	v22 =	vsub.f32 $0.0e+00, v23;
	v20 =	vmul.f32 $1.442695020e+00, v20;
	v18 =	vsub.f32 $0.0e+00, v18  }
0x151: {  	v27 =	vld [tilespmem:s17+$0xFFFFFC00];
	v21 =	vmul.f32 $1.442695020e+00, v21  }
0x152: {  	v28 =	vld [tilespmem:s17+$0xFFFFF900];
	v22 =	vmul.f32 $1.442695020e+00, v22;
	(erf) = vpow2.f32 v20  }
0x153: {  	(erf) = vpow2.f32 v21  }
0x154: {  	v23 =	vsub.f32 $0.0e+00, v24;
	v20 =	vmul.f32 $1.442695020e+00, v18;
	v18 =	vpop (erf);
	(erf) = vpow2.f32 v22;
	v22 =	vld [tilespmem:s17+$0xFFFFFA00]  }
0x155: {  	s21 =	simm.s32 $0x1E00  }
0x156: {  	s22 =	simm.s32 $0x2300;
	s19 =	simm.s32 $0x3100;
	s23 =	simm.s32 $0x10;
	v24 =	vsub.f32 $0.0e+00, v25;
	v21 =	vmul.f32 $1.442695020e+00, v23;
	v23 =	vsub.f32 $0.0e+00, v27  }
0x157: {  	s24 =	simm.s32 $0x3110;
	s20 =	simm.s32 $0x1E00;
	s18 =	simm.s32 $0x2300;
	v25 =	vmul.f32 v18, v19;
	v19 =	vmul.f32 v18, v26;
	v26 =	vsub.f32 $0.0e+00, v28  }
.LBB2_5:
0x158: {  	v27 =	vmul.f32 v18, v7;
	v24 =	vmul.f32 $1.442695020e+00, v24;
	s21 =	sadd.s32 $0x10, s21;
	s22 =	sadd.s32 $0x10, s22;
	s17 =	sadd.s32 $0x10, s17  }
0x159: {  	p1 =	sne.s32 s23, $0xF0;
	v22 =	vsub.f32 $0.0e+00, v22;
	v23 =	vmul.f32 $1.442695020e+00, v23;
	s25 =	smov.u32 s23;
	s23 =	sadd.s32 $0x10, s23;
	[tilespmem:s19+$0xFFFFF600] =	vst v25;
	v25 =	vmul.f32 $1.442695020e+00, v26  }
0x15a: {  	v1 =	vmul.f32 v18, v1;
	v3 =	vmul.f32 v18, v3;
	[tilespmem:s19+$0xFFFFF800] =	vst v27  }
0x15b: {  	v26 =	vmul.f32 v18, v5;
	v7 =	vpop (erf);
	(erf) = vpow2.f32 v23  }
0x15c: {  	[tilespmem:s19+$0xFFFFFA00] =	vst v3;
	v3 =	vmul.f32 $1.442695020e+00, v22;
	v7 =	vadd.f32 $1.000000000e+00, v7;
	(erf) = vpow2.f32 v21  }
0x15d: {  	v4 =	vmul.f32 v18, v4;
	[tilespmem:s19+$0xFFFFFB00] =	vst v26;
	v5 =	vpop (erf);
	(erf) = vpow2.f32 v20  }
0x15e: {  	[tilespmem:s19+$0xFFFFF700] =	vst v1;
	v1 =	vmul.f32 v18, v6;
	(erf) = vpow2.f32 v25  }
0x15f: {  	[tilespmem:s19+$0xFFFFFC00] =	vst v4;
	v4 =	vmul.f32 v18, v8;
	v6 =	vpop (erf);
	(erf) = vpow2.f32 v3  }
0x160: {  	[tilespmem:s19+$0xFFFFFD00] =	vst v1;
	v1 =	vmul.f32 v18, v9;
	(erf) = vpow2.f32 v24  }
0x161: {  	v2 =	vmul.f32 v18, v2;
	v3 =	vmul.f32 v18, v12;
	[tilespmem:s19+$0xFFFFFE00] =	vst v4;
	v4 =	vadd.f32 $1.000000000e+00, v5  }
0x162: {  	v5 =	vmul.f32 v18, v16;
	[tilespmem:s19+$0xFFFFFF00] =	vst v1;
	v1 =	vmul.f32 v18, v13  }
0x163: {  	[tilespmem:s19+$0x200] =	vst v3;
	v3 =	vmul.f32 v18, v14;
	(erf) = vrcp.f32 v4  }
0x164: {  	v4 =	vadd.f32 $1.000000000e+00, v6;
	[tilespmem:s19+$0x300] =	vst v1;
	v1 =	vmul.f32 v18, v11;
	(erf) = vrcp.f32 v7;
	v6 =	vpop (erf)  }
0x165: {  	v11 =	vmul.f32 v18, v17;
	[tilespmem:s19+$0x400] =	vst v5;
	v5 =	vmul.f32 v18, v10;
	v12 =	vadd.f32 $1.000000000e+00, v6;
	v8 =	vpop (erf)  }
0x166: {  	v9 =	vmul.f32 v18, v15;
	[tilespmem:s19+$0x0] =	vst v19;
	v8 =	vadd.f32 $1.000000000e+00, v8;
	v10 =	vpop (erf);
	(erf) = vrcp.f32 v4  }
0x167: {  	v0 =	vmul.f32 v18, v0;
	[tilespmem:s19+$0x800] =	vst v11;
	v10 =	vadd.f32 $1.000000000e+00, v10;
	v7 =	vpop (erf);
	(erf) = vrcp.f32 v12  }
0x168: {  	[tilespmem:s19+$0x500] =	vst v3;
	v3 =	vadd.f32 $1.000000000e+00, v7;
	(erf) = vrcp.f32 v8;
	v6 =	vpop (erf)  }
0x169: {  	[tilespmem:s19+$0x900] =	vst v9;
	v6 =	vadd.f32 $1.000000000e+00, v6;
	(erf) = vrcp.f32 v10;
	v4 =	vpop (erf)  }
0x16a: {  	[tilespmem:s19+$0x600] =	vst v1;
	v1 =	vadd.f32 $1.000000000e+00, v4;
	(erf) = vrcp.f32 v3  }
0x16b: {  	[tilespmem:s19+$0x700] =	vst v5;
	(erf) = vrcp.f32 v6  }
0x16c: {  	[tilespmem:s19+$0x100] =	vst v2;
	v2 =	vpop (erf);
	(erf) = vrcp.f32 v1  }
0x16d: {  	[tilespmem:s19+$0xFFFFF900] =	vst v0;
	v0 =	vpop (erf);
	s19 =	smov.u32 s24  }
0x16e: {  	[tilespmem:s20+$0x0] =	vst v2;
	s20 =	smov.u32 s21  }
0x16f: {  	[tilespmem:s18+$0x100] =	vst v0;
	v0 =	vpop (erf)  }
0x170: {  	[tilespmem:s18+$0xFFFFFE00] =	vst v0;
	v0 =	vpop (erf)  }
0x171: {  	[tilespmem:s18+$0x200] =	vst v0;
	v0 =	vpop (erf)  }
0x172: {  	[tilespmem:s18+$0xFFFFFD00] =	vst v0;
	v0 =	vpop (erf)  }
0x173: {  	[tilespmem:s18+$0xFFFFFC00] =	vst v0;
	v0 =	vpop (erf)  }
0x174: {  	[tilespmem:s18+$0xFFFFFF00] =	vst v0;
	v0 =	vpop (erf)  }
0x175: {  	[tilespmem:s18+$0x0] =	vst v0;
	v0 =	vpop (erf)  }
0x176: {  	[tilespmem:s18+$0x300] =	vst v0;
	s18 =	smov.u32 s22  }
0x177: {  	v0 =	vld [tilespmem:s17+$0x200]  }
0x178: {  	v1 =	vld [tilespmem:s17+$0x100]  }
0x179: {  	v2 =	vld [tilespmem:s17+$0x0]  }
0x17a: {  	v3 =	vld [tilespmem:s17+$0x300];
	_ =	sdelay $0x1  }
0x17b: {  	v4 =	vld [tilespmem:s17+$0x400]  }
0x17c: {  	v0 =	vmul.f32 $1.442695020e+00, v0;
	v1 =	vmul.f32 $1.442695020e+00, v1  }
0x17d: {  	v5 =	vld [tilespmem:s17+$0x500];
	v2 =	vmul.f32 $1.442695020e+00, v2  }
0x17e: {  	v3 =	vmul.f32 $1.442695020e+00, v3;
	(erf) = vpow2.f32 v1  }
0x17f: {  	v1 =	vld [tilespmem:s17+$0x600];
	(erf) = vpow2.f32 v2  }
0x180: {  	v2 =	vmul.f32 $1.442695020e+00, v4;
	(erf) = vpow2.f32 v3  }
0x181: {  	v3 =	vld [tilespmem:s17+$0x700];
	(erf) = vpow2.f32 v0  }
0x182: {  	v0 =	vmul.f32 $1.442695020e+00, v5;
	(erf) = vpow2.f32 v2  }
0x183: {  	v2 =	vld [tilespmem:s17+$0x800]  }
0x184: {  	v6 =	vmul.f32 $1.442695020e+00, v1;
	(erf) = vpow2.f32 v0  }
0x185: {  	v4 =	vld [tilespmem:s17+$0x900]  }
0x186: {  	s25 =	sand.u32 $0xF0, s25;
	v7 =	vmul.f32 $1.442695020e+00, v3;
	(erf) = vpow2.f32 v6  }
0x187: {  	v5 =	vld [tilespmem:s25+$0x1400];
	v1 =	vpop (erf)  }
0x188: {  	v2 =	vmul.f32 $1.442695020e+00, v2;
	v19 =	vpop (erf);
	(erf) = vpow2.f32 v7  }
0x189: {  	v6 =	vld [tilespmem:s25+$0x1500];
	v9 =	vadd.f32 v1, v19;
	v0 =	vpop (erf)  }
0x18a: {  	v4 =	vmul.f32 $1.442695020e+00, v4;
	v7 =	vpop (erf);
	(erf) = vpow2.f32 v2  }
0x18b: {  	v2 =	vld [tilespmem:s25+$0x1600];
	v8 =	vadd.f32 v7, v9;
	v3 =	vpop (erf)  }
0x18c: {  	v9 =	vmul.f32 $1.442695020e+00, v5;
	(erf) = vpow2.f32 v4  }
0x18d: {  	v10 =	vld [tilespmem:s25+$0x1700];
	v11 =	vadd.f32 v0, v8;
	v5 =	vpop (erf)  }
0x18e: {  	v12 =	vmul.f32 $1.442695020e+00, v6;
	(erf) = vpow2.f32 v9  }
0x18f: {  	v9 =	vld [tilespmem:s25+$0x1800];
	v8 =	vadd.f32 v3, v11;
	v4 =	vpop (erf)  }
0x190: {  	v2 =	vmul.f32 $1.442695020e+00, v2;
	(erf) = vpow2.f32 v12  }
0x191: {  	v11 =	vld [tilespmem:s25+$0x1900];
	v13 =	vadd.f32 v5, v8;
	v6 =	vpop (erf)  }
0x192: {  	v10 =	vmul.f32 $1.442695020e+00, v10;
	(erf) = vpow2.f32 v2  }
0x193: {  	v2 =	vld [tilespmem:s25+$0x1A00];
	v12 =	vadd.f32 v4, v13;
	v8 =	vpop (erf)  }
0x194: {  	v13 =	vmul.f32 $1.442695020e+00, v9;
	(erf) = vpow2.f32 v10  }
0x195: {  	v10 =	vld [tilespmem:s25+$0x1B00];
	v12 =	vadd.f32 v6, v12;
	v9 =	vpop (erf)  }
0x196: {  	v11 =	vmul.f32 $1.442695020e+00, v11;
	(erf) = vpow2.f32 v13  }
0x197: {  	v13 =	vld [tilespmem:s25+$0x1C00];
	v12 =	vadd.f32 v8, v12;
	v26 =	vpop (erf)  }
0x198: {  	v14 =	vmul.f32 $1.442695020e+00, v2;
	(erf) = vpow2.f32 v11  }
0x199: {  	v11 =	vld [tilespmem:s25+$0x1D00];
	v15 =	vadd.f32 v9, v12;
	v2 =	vpop (erf)  }
0x19a: {  	v10 =	vmul.f32 $1.442695020e+00, v10;
	(erf) = vpow2.f32 v14  }
0x19b: {  	v14 =	vadd.f32 v26, v15;
	v12 =	vpop (erf)  }
0x19c: {  	v15 =	vmul.f32 $1.442695020e+00, v13;
	(erf) = vpow2.f32 v10  }
0x19d: {  	v10 =	vadd.f32 v2, v14;
	v13 =	vpop (erf)  }
0x19e: {  	v11 =	vmul.f32 $1.442695020e+00, v11;
	(erf) = vpow2.f32 v15  }
0x19f: {  	v10 =	vadd.f32 v12, v10;
	v16 =	vpop (erf)  }
0x1a0: {  	(erf) = vpow2.f32 v11  }
0x1a1: {  	v10 =	vadd.f32 v13, v10;
	v14 =	vpop (erf);
	_ =	sdelay $0x1  }
0x1a2: {  	v17 =	vadd.f32 v16, v10;
	v11 =	vpop (erf);
	_ =	sdelay $0x1  }
0x1a3: {  	v15 =	vadd.f32 v14, v17;
	v10 =	vpop (erf);
	_ =	sdelay $0x1  }
0x1a4: {  	v20 =	vadd.f32 v11, v15;
	v17 =	vpop (erf);
	_ =	sdelay $0x1  }
0x1a5: {  	v18 =	vadd.f32 v10, v20;
	v15 =	vpop (erf);
	_ =	sdelay $0x1  }
0x1a6: {  	v20 =	vld [tilespmem:s17+$0xFFFFFB00];
	v18 =	vadd.f32 v17, v18  }
0x1a7: {  	v21 =	vld [tilespmem:s17+$0xFFFFFF00]  }
0x1a8: {  	v22 =	vld [tilespmem:s17+$0xFFFFFE00];
	v18 =	vadd.f32 v15, v18  }
0x1a9: {  	v23 =	vld [tilespmem:s17+$0xFFFFF800]  }
0x1aa: {  	v24 =	vld [tilespmem:s17+$0xFFFFF600];
	(erf) = vrcp.f32 v18  }
0x1ab: {  	v18 =	vld [tilespmem:s17+$0xFFFFF700];
	v20 =	vsub.f32 $0.0e+00, v20  }
0x1ac: {  	v25 =	vld [tilespmem:s17+$0xFFFFFD00]  }
0x1ad: {  	v27 =	vld [tilespmem:s17+$0xFFFFFC00];
	v21 =	vsub.f32 v21, v22;
	v20 =	vmul.f32 $1.442695020e+00, v20  }
0x1ae: {  	v22 =	vsub.f32 $0.0e+00, v23  }
0x1af: {  	v28 =	vld [tilespmem:s17+$0xFFFFF900];
	v21 =	vmul.f32 $1.442695020e+00, v21;
	v23 =	vsub.f32 $0.0e+00, v24;
	(erf) = vpow2.f32 v20  }
.Ltmp4:
0x1b0: {  	v30 =	vsub.f32 $0.0e+00, v18;
	v29 =	vmul.f32 $1.442695020e+00, v22;
	(pc) =	sbr.rel @p1 .LBB2_5-.Ltmp4, $4  }
0x1b1: {  	v22 =	vld [tilespmem:s17+$0xFFFFFA00];
	v20 =	vmul.f32 $1.442695020e+00, v23;
	v24 =	vsub.f32 $0.0e+00, v25;
	(erf) = vpow2.f32 v21  }
0x1b2: {  	v21 =	vmul.f32 $1.442695020e+00, v30;
	v23 =	vsub.f32 $0.0e+00, v27  }
0x1b3: {  	v18 =	vpop (erf);
	(erf) = vpow2.f32 v29  }
0x1b4: {  	s24 =	sadd.s32 $0x10, s24;
	v25 =	vmul.f32 v18, v19;
	v19 =	vmul.f32 v18, v26;
	v26 =	vsub.f32 $0.0e+00, v28  }
.Ltmp5:
0x1b5: {  	_ = 	snop;
	(pc) =	sbr.rel .LBB2_6-.Ltmp5, $1  }
0x1b6: {  	_ =	sdelay $0x3  }
.LBB2_8:
0x1b7: {  	_ =	sfence.sel $0x180000  }
0x1b8: {  	[bflag:$0x0] =	sbarrier.arrive $0xFFFF  }
0x1b9: {  	p0 =	sne.s32 s1, $0x0;
	_ =	strace $0x90000047  }
0x1ba: {  	s0 =	sadd.s32 @!p0 $0x100000, s0;
	[bflag:$0x2] =	sbarrier.arrive $0xFFFF  }
0x1bb: {  	[sflag:s0] =	ssyncadd.tile.s32 @!p0 $0x1;
	_ =	shalt  }
.Lfunc_end2:
_tile_overlayer_lowered:
.L_overlay_start_2:
0x1bc: {  	(tag) =	ssettag $0x2  }
0x1bd: {  	s0 =	rddreg [dreg:$0x0];
	s2 =	stileid.u32  }
0x1be: {  	s1 =	rddreg [dreg:$0x1];
	p0 =	sne.s32 s2, $0x0  }
0x1bf: {  	s3 =	rddreg [dreg:$0x2];
	[bflag:$0x3] =	sbarrier.arrive $0xFFFF;
	s2 =	simm.s32 @!p0 $0x1C01  }
0x1c0: {  	[timem:s3], [sflag:s2] =	dma.local @!p0 [hbm:s0], s1  }
0x1c1: {  	s0 =	simm.s32 @!p0 $0x1  }
0x1c2: {  	_ =	swait.ge @!p0 [sflag:s0], s1  }
0x1c3: {  	s1 =	ssub.s32 @!p0 $0x0, s1;
	[sflag:s0] =	ssyncset.done @!p0 $0x0  }
0x1c4: {  	[sflag:s0] =	ssyncadd.s32 @!p0 s1  }
0x1c5: {  	[bflag:$0x3] =	sbarrier.arrive $0xFFFF  }
0x1c6: {  	_ =	shalt  }

</sc_bundles>
